<compile_context>
chip_gen: v7x
topology: tpu7x:2x2x1
jax: 0.10.2.dev20260603
libtpu: 0.0.44.dev20260713+nightly
codegen_flags: <defaults>
</compile_context>

<pallas_src>
import functools

import jax
import jax.numpy as jnp
from jax import lax
from jax.experimental import pallas as pl
from jax.experimental.pallas import tpu as pltpu
from jax.experimental.pallas import tpu_sc as plsc

N = 4
C = 64
L = 8192
CR = 16
H = 4
CHUNK = 8
J = H * L
NJ = N * J
NBP = 136
TB = 2048
NBL = J // TB
KT = 32
RT = KT * CHUNK
NT = (L // CHUNK) // KT
NH = N * H
F32 = jnp.float32
NEG = -1e30


def _f32(x):
    return x.astype(F32)


TLE = 2048
NTL = L // TLE
_LC8 = L // 8


def _shifted(xc, xprev8, xnext8, t):
    row = lax.broadcasted_iota(jnp.int32, (TLE, 1), 0)
    prev_row = xprev8[0, 0, 7:8, :] * jnp.where(t == 0, 0.0, 1.0)
    next_row = xnext8[0, 0, 0:1, :] * jnp.where(t == NTL - 1, 0.0, 1.0)
    xm1 = jnp.where(row == 0, prev_row, pltpu.roll(xc, 1, 0))
    xp1 = jnp.where(row == TLE - 1, next_row, pltpu.roll(xc, TLE - 1, 0))
    return xm1, xp1


def _conv_outs(xc, xprev8, xnext8, t, w1, w2):
    xm1, xp1 = _shifted(xc, xprev8, xnext8, t)
    xcat = jnp.concatenate([xm1, xc, xp1], axis=1)
    o1 = jnp.dot(xcat, w1[...], preferred_element_type=F32)
    o2 = jnp.dot(xc, w2[...], preferred_element_type=F32)
    return o1, o2


def _stats_body(xin, xp8, xn8, w1, w2, stats):
    t = pl.program_id(1)
    o1, o2 = _conv_outs(xin[0], xp8, xn8, t, w1, w2)
    s1 = jnp.sum(o1, axis=0, keepdims=True)
    q1 = jnp.sum(o1 * o1, axis=0, keepdims=True)
    s2 = jnp.sum(o2, axis=0, keepdims=True)
    q2 = jnp.sum(o2 * o2, axis=0, keepdims=True)
    z1 = jnp.zeros((1, 128 - CR), F32)
    z2 = jnp.zeros((1, 128 - C), F32)
    blk = jnp.concatenate([
        jnp.concatenate([s1, z1], axis=1),
        jnp.concatenate([q1, z1], axis=1),
        jnp.concatenate([s2, z2], axis=1),
        jnp.concatenate([q2, z2], axis=1),
        jnp.zeros((4, 128), F32),
    ], axis=0)
    first = jnp.logical_and(pl.program_id(0) == 0, t == 0)

    @pl.when(first)
    def _():
        stats[...] = blk

    @pl.when(jnp.logical_not(first))
    def _():
        stats[...] = stats[...] + blk


def _halo_specs():
    tlc = TLE // 8
    return [
        pl.BlockSpec((1, TLE, C), lambda n, t: (n, t, 0)),
        pl.BlockSpec((1, 1, 8, C),
                     lambda n, t: (n, (t * tlc - 1) % _LC8, 0, 0)),
        pl.BlockSpec((1, 1, 8, C),
                     lambda n, t: (n, (t * tlc + tlc) % _LC8, 0, 0)),
    ]


def _stage_stats(xin_t, xin4, w1, w2):
    return pl.pallas_call(
        _stats_body,
        grid=(N, NTL),
        in_specs=_halo_specs() + [
            pl.BlockSpec((3 * C, CR), lambda n, t: (0, 0)),
            pl.BlockSpec((C, C), lambda n, t: (0, 0)),
        ],
        out_specs=pl.BlockSpec((8, 128), lambda n, t: (0, 0)),
        out_shape=jax.ShapeDtypeStruct((8, 128), F32),
        compiler_params=pltpu.CompilerParams(
            dimension_semantics=("arbitrary", "arbitrary")),
    )(xin_t, xin4, xin4, w1, w2)


def _embed_body(xin, xp8, xn8, w1, w2, rm, sb1, sb2, xy, c0, c1, c2, c3):
    t = pl.program_id(1)
    o1, o2 = _conv_outs(xin[0], xp8, xn8, t, w1, w2)
    a1 = sb1[0:1, :]
    b1 = sb1[1:2, :]
    a2 = sb2[0:1, :]
    b2 = sb2[1:2, :]
    xm = jnp.maximum(o1 * a1 + b1, 0.0)
    ym = jnp.maximum(o2 * a2 + b2, 0.0)
    xy[0] = jnp.concatenate([ym, xm, jnp.zeros((TLE, 128 - C - CR), F32)],
                            axis=1)
    rot = jnp.dot(xm, rm[...], preferred_element_type=F32)
    lanei = lax.broadcasted_iota(jnp.int32, (TLE, 2 * C), 1)
    outs = (c0, c1, c2, c3)
    for h in range(H):
        rh = rot[:, h * C:(h + 1) * C]
        full = jnp.concatenate([rh, -rh], axis=1)
        m = jnp.max(full, axis=1, keepdims=True)
        cand = jnp.where(full == m, lanei, 2 * C + 1)
        code = jnp.min(cand, axis=1, keepdims=True) + h
        outs[h][0] = code


def _stage_embed(xin_t, xin4, w1, w2, rm, sb1, sb2):
    code_sh = jax.ShapeDtypeStruct((N, L, 1), jnp.int32)
    return pl.pallas_call(
        _embed_body,
        grid=(N, NTL),
        in_specs=_halo_specs() + [
            pl.BlockSpec((3 * C, CR), lambda n, t: (0, 0)),
            pl.BlockSpec((C, C), lambda n, t: (0, 0)),
            pl.BlockSpec((CR, H * C), lambda n, t: (0, 0)),
            pl.BlockSpec((8, CR), lambda n, t: (0, 0)),
            pl.BlockSpec((8, C), lambda n, t: (0, 0)),
        ],
        out_specs=[
            pl.BlockSpec((1, TLE, 128), lambda n, t: (n, t, 0)),
            pl.BlockSpec((1, TLE, 1), lambda n, t: (n, t, 0)),
            pl.BlockSpec((1, TLE, 1), lambda n, t: (n, t, 0)),
            pl.BlockSpec((1, TLE, 1), lambda n, t: (n, t, 0)),
            pl.BlockSpec((1, TLE, 1), lambda n, t: (n, t, 0)),
        ],
        out_shape=[
            jax.ShapeDtypeStruct((N, L, 128), F32),
            code_sh, code_sh, code_sh, code_sh,
        ],
    )(xin_t, xin4, xin4, w1, w2, rm, sb1, sb2)


def _rank_body(v4, r4, hh):
    vb = v4[0, 0]
    i0 = lax.broadcasted_iota(jnp.int32, (TB // 8, TB // 8), 0)
    i1 = lax.broadcasted_iota(jnp.int32, (TB // 8, TB // 8), 1)
    lts = _f32(i0 < i1)
    bidx = lax.broadcasted_iota(jnp.int32, (NBP, TB // 8), 0)
    rh = jnp.zeros((NBP, 1), F32)
    rows = []
    for s in range(8):
        vrow = vb[s:s + 1, :]
        oh = _f32(bidx == vrow)
        csum = jnp.dot(oh, lts, preferred_element_type=F32)
        rows.append(jnp.sum(oh * (csum + rh), axis=0, keepdims=True))
        rh = rh + jnp.sum(oh, axis=1, keepdims=True)
    r4[0, 0] = jnp.concatenate(rows, axis=0)
    hh[0, 0] = rh


def _stage_rank(v4):
    return pl.pallas_call(
        _rank_body,
        grid=(N, NBL),
        in_specs=[pl.BlockSpec((1, 1, 8, TB // 8), lambda n, t: (n, t, 0, 0))],
        out_specs=[
            pl.BlockSpec((1, 1, 8, TB // 8), lambda n, t: (n, t, 0, 0)),
            pl.BlockSpec((1, 1, NBP, 1), lambda n, t: (n, t, 0, 0)),
        ],
        out_shape=[
            jax.ShapeDtypeStruct((N, NBL, 8, TB // 8), F32),
            jax.ShapeDtypeStruct((N, NBL, NBP, 1), F32),
        ],
    )(v4)


def _offsets_body(hh, bex, gs, run):
    t = pl.program_id(1)

    @pl.when(t == 0)
    def _():
        run[...] = jnp.zeros((NBP, 1), F32)

    cur = run[...]
    bex[0, 0] = cur
    tot = cur + hh[0, 0]
    run[...] = tot
    row = lax.broadcasted_iota(jnp.int32, (NBP, 1), 0)
    incl = tot
    k = 1
    while k < NBP:
        incl = incl + jnp.where(row >= k, pltpu.roll(incl, k, 0), 0.0)
        k *= 2
    gs[0] = incl - tot


def _stage_offsets(hh):
    return pl.pallas_call(
        _offsets_body,
        grid=(N, NBL),
        in_specs=[pl.BlockSpec((1, 1, NBP, 1), lambda n, t: (n, t, 0, 0))],
        out_specs=[
            pl.BlockSpec((1, 1, NBP, 1), lambda n, t: (n, t, 0, 0)),
            pl.BlockSpec((1, NBP, 1), lambda n, t: (n, 0, 0)),
        ],
        out_shape=[
            jax.ShapeDtypeStruct((N, NBL, NBP, 1), F32),
            jax.ShapeDtypeStruct((N, NBP, 1), F32),
        ],
        scratch_shapes=[pltpu.VMEM((NBP, 1), F32)],
        compiler_params=pltpu.CompilerParams(
            dimension_semantics=("arbitrary", "arbitrary")),
    )(hh)


def _pos_body(v4, r4, off, gs, pg):
    vb = v4[0, 0]
    offc = off[0, 0] + gs[0]
    bidx = lax.broadcasted_iota(jnp.int32, (NBP, TB // 8), 0)
    rows = []
    for s in range(8):
        oh = _f32(bidx == vb[s:s + 1, :])
        rows.append(jnp.sum(oh * offc, axis=0, keepdims=True))
    base = jnp.concatenate(rows, axis=0)
    n = pl.program_id(0)
    pg[0, 0] = (base + r4[0, 0]).astype(jnp.int32) + n * J


def _stage_pos(v4, r4, off, gs):
    return pl.pallas_call(
        _pos_body,
        grid=(N, NBL),
        in_specs=[
            pl.BlockSpec((1, 1, 8, TB // 8), lambda n, t: (n, t, 0, 0)),
            pl.BlockSpec((1, 1, 8, TB // 8), lambda n, t: (n, t, 0, 0)),
            pl.BlockSpec((1, 1, NBP, 1), lambda n, t: (n, t, 0, 0)),
            pl.BlockSpec((1, NBP, 1), lambda n, t: (n, 0, 0)),
        ],
        out_specs=pl.BlockSpec((1, 1, 8, TB // 8), lambda n, t: (n, t, 0, 0)),
        out_shape=jax.ShapeDtypeStruct((N, NBL, 8, TB // 8), jnp.int32),
    )(v4, r4, off, gs)


_PERW = NJ // 32
_CH = 1024


def _sc_invert(pg):
    mesh = plsc.VectorSubcoreMesh(core_axis_name="c", subcore_axis_name="s")

    @functools.partial(
        pl.kernel,
        mesh=mesh,
        out_type=jax.ShapeDtypeStruct((NJ,), jnp.int32),
        scratch_types=[
            pltpu.VMEM((J,), jnp.int32),
            pltpu.VMEM((_CH,), jnp.int32),
        ],
        compiler_params=pltpu.CompilerParams(needs_layout_passes=False),
    )
    def k(pg_h, src_h, inv_v, chunk_v):
        w = lax.axis_index("s") * 2 + lax.axis_index("c")

        @pl.when(w < N)
        def _():
            n = w

            def outer(cc, carry):
                base = cc * _CH
                pltpu.sync_copy(pg_h.at[pl.ds(n * J + base, _CH)], chunk_v)

                def inner(kk, carry2):
                    idx = chunk_v[pl.ds(kk * 16, 16)] - n * J
                    j = base + kk * 16 + lax.broadcasted_iota(
                        jnp.int32, (16,), 0)
                    val = n * L + lax.bitwise_and(j, L - 1)
                    plsc.store_scatter(inv_v, [idx], val)
                    return carry2

                lax.fori_loop(0, _CH // 16, inner, 0)
                return carry

            lax.fori_loop(0, J // _CH, outer, 0)
            pltpu.sync_copy(inv_v, src_h.at[pl.ds(n * J, J)])

    return k(pg)


_CHG = 512


def _sc_gather_rows(table, idx):
    nr = idx.shape[0]
    perw = nr // 32
    mesh = plsc.VectorSubcoreMesh(core_axis_name="c", subcore_axis_name="s")

    @functools.partial(
        pl.kernel,
        mesh=mesh,
        out_type=jax.ShapeDtypeStruct((nr, 128), F32),
        scratch_types=[
            pltpu.VMEM((_CHG,), jnp.int32),
            pltpu.VMEM((_CHG, 128), F32),
            pltpu.SemaphoreType.DMA,
        ],
    )
    def k(tbl_h, idx_h, out_h, idx_v, rows_v, sem):
        w = lax.axis_index("s") * 2 + lax.axis_index("c")
        q0 = w * perw

        def body(cc, carry):
            o = q0 + cc * _CHG
            pltpu.sync_copy(idx_h.at[pl.ds(o, _CHG)], idx_v)
            pltpu.async_copy(tbl_h.at[idx_v], rows_v, sem).wait()
            pltpu.sync_copy(rows_v, out_h.at[pl.ds(o, _CHG)])
            return carry

        lax.fori_loop(0, perw // _CHG, body, 0)

    return k(table, idx)


def _att_body(xyc, xypl, xynf, att, bs):
    cur = xyc[0, 0]
    prv = xypl[0, 0]
    nxt = xynf[0, 0]
    xq = cur[:, C:C + CR]
    xk = jnp.concatenate([prv[:, C:C + CR], xq, nxt[:, C:C + CR]], axis=0)
    yk = jnp.concatenate([prv[:, :C], cur[:, :C], nxt[:, :C]], axis=0)
    nrm = jnp.sqrt(jnp.sum(xk * xk, axis=1, keepdims=True))
    xk = xk / jnp.maximum(nrm, 5e-5)
    s = lax.dot_general(xq, xk, (((1,), (1,)), ((), ())),
                        preferred_element_type=F32)
    qc = lax.broadcasted_iota(jnp.int32, (RT, RT + 16), 0) // CHUNK
    kc = lax.broadcasted_iota(jnp.int32, (RT, RT + 16), 1) // CHUNK - 1
    valid = jnp.abs(qc - kc) <= 1
    s = jnp.where(valid, s, NEG)
    m = jnp.max(s, axis=1, keepdims=True)
    e = jnp.exp(s - m)
    ssum = jnp.sum(e, axis=1, keepdims=True)
    av = jnp.dot(e, yk, preferred_element_type=F32) * (1.0 / ssum)
    att[0, 0] = jnp.concatenate([av, jnp.zeros((RT, 128 - C), F32)], axis=1)
    bs[0, 0] = m + jnp.log(ssum)


def _stage_att(xys):
    xy4 = xys.reshape(NH, NT, RT, 128)
    xy8 = xys.reshape(NH, NT * KT, CHUNK, 128)
    nchunks = NT * KT
    return pl.pallas_call(
        _att_body,
        grid=(NH, NT),
        in_specs=[
            pl.BlockSpec((1, 1, RT, 128), lambda i, t: (i, t, 0, 0)),
            pl.BlockSpec((1, 1, CHUNK, 128),
                         lambda i, t: (i, (t * KT - 1) % nchunks, 0, 0)),
            pl.BlockSpec((1, 1, CHUNK, 128),
                         lambda i, t: (i, (t * KT + KT) % nchunks, 0, 0)),
        ],
        out_specs=[
            pl.BlockSpec((1, 1, RT, 128), lambda i, t: (i, t, 0, 0)),
            pl.BlockSpec((1, 1, RT, 1), lambda i, t: (i, t, 0, 0)),
        ],
        out_shape=[
            jax.ShapeDtypeStruct((NH, NT, RT, 128), F32),
            jax.ShapeDtypeStruct((NH, NT, RT, 1), F32),
        ],
    )(xy4, xy8, xy8)


_TL = 2048


def _combine_body(attu, bsr, fout, stats):
    b = bsr[0]
    m = jnp.max(b, axis=0, keepdims=True)
    e = jnp.exp(b - m)
    wgt = e / jnp.sum(e, axis=0, keepdims=True)
    fv = jnp.sum(attu[0][:, :, :C] * wgt, axis=0)
    fout[0] = fv
    ps = jnp.sum(fv, axis=0, keepdims=True)
    pq = jnp.sum(fv * fv, axis=0, keepdims=True)
    z = jnp.zeros((1, 128 - C), F32)
    blk = jnp.concatenate([
        jnp.concatenate([ps, z], axis=1),
        jnp.concatenate([pq, z], axis=1),
        jnp.zeros((6, 128), F32),
    ], axis=0)
    first = jnp.logical_and(pl.program_id(0) == 0, pl.program_id(1) == 0)

    @pl.when(first)
    def _():
        stats[...] = blk

    @pl.when(jnp.logical_not(first))
    def _():
        stats[...] = stats[...] + blk


def _stage_combine(attu4, bs4):
    return pl.pallas_call(
        _combine_body,
        grid=(N, L // _TL),
        in_specs=[
            pl.BlockSpec((1, H, _TL, 128), lambda n, t: (n, 0, t, 0)),
            pl.BlockSpec((1, H, _TL, 1), lambda n, t: (n, 0, t, 0)),
        ],
        out_specs=[
            pl.BlockSpec((1, _TL, C), lambda n, t: (n, t, 0)),
            pl.BlockSpec((8, 128), lambda n, t: (0, 0)),
        ],
        out_shape=[
            jax.ShapeDtypeStruct((N, L, C), F32),
            jax.ShapeDtypeStruct((8, 128), F32),
        ],
        compiler_params=pltpu.CompilerParams(
            dimension_semantics=("arbitrary", "arbitrary")),
    )(attu4, bs4)


def _final_body(fin, xin, sb3, out):
    a3 = sb3[0:1, :]
    b3 = sb3[1:2, :]
    out[0] = fin[0] * a3 + b3 + xin[0]


def _stage_final(fv, xin_t, sb3):
    return pl.pallas_call(
        _final_body,
        grid=(N, L // _TL),
        in_specs=[
            pl.BlockSpec((1, _TL, C), lambda n, t: (n, t, 0)),
            pl.BlockSpec((1, _TL, C), lambda n, t: (n, t, 0)),
            pl.BlockSpec((8, C), lambda n, t: (0, 0)),
        ],
        out_specs=pl.BlockSpec((1, _TL, C), lambda n, t: (n, t, 0)),
        out_shape=jax.ShapeDtypeStruct((N, L, C), F32),
    )(fv, xin_t, sb3)


def _fold_bn(g, b, s, q, cnt, eps=1e-5):
    mean = s / cnt
    var = q / cnt - mean * mean
    a = g / jnp.sqrt(var + eps)
    return a, b - a * mean


def _pack_sb(a, b, width):
    sb = jnp.zeros((8, width), F32)
    return sb.at[0].set(a).at[1].set(b)


def kernel(input_tensor, conv_match_w, bn1_g, bn1_b, conv_asm_w, bn2_g,
           bn2_b, bn3_g, bn3_b, random_rotations):
    xin_t = input_tensor.transpose(0, 2, 1)
    w1 = conv_match_w.transpose(2, 1, 0).reshape(3 * C, CR)
    w2 = conv_asm_w[:, :, 0].transpose(1, 0)
    rm = random_rotations.reshape(CR, H * C)

    xin4 = xin_t.reshape(N, L // 8, 8, C)
    stats = _stage_stats(xin_t, xin4, w1, w2)
    cnt = float(N * L)
    a1, b1 = _fold_bn(bn1_g, bn1_b, stats[0, :CR], stats[1, :CR], cnt)
    a2, b2 = _fold_bn(bn2_g, bn2_b, stats[2, :C], stats[3, :C], cnt)
    xy, c0, c1, c2, c3 = _stage_embed(
        xin_t, xin4, w1, w2, rm, _pack_sb(a1, b1, CR), _pack_sb(a2, b2, C))

    v = jnp.concatenate([c0, c1, c2, c3], axis=2)
    v = v.transpose(0, 2, 1).reshape(N, J)
    v4 = v.reshape(N, NBL, 8, TB // 8)
    r4, hh = _stage_rank(v4)
    off, gs = _stage_offsets(hh)
    pg = _stage_pos(v4, r4, off, gs).reshape(NJ)

    src_idx = _sc_invert(pg)
    xys = _sc_gather_rows(xy.reshape(N * L, 128), src_idx)
    att4, bs4 = _stage_att(xys)
    attu = _sc_gather_rows(att4.reshape(NJ, 128), pg)

    fv, stats3 = _stage_combine(attu.reshape(N, H, L, 128),
                                bs4.reshape(N, H, L, 1))
    a3, b3 = _fold_bn(bn3_g, bn3_b, stats3[0, :C], stats3[1, :C], cnt)
    out = _stage_final(fv, xin_t, _pack_sb(a3, b3, C))
    return out.transpose(0, 2, 1)

# --- scband reference (transcript-rebuilt; emitter-appended) ---
"""Pipeline reference for scband-multi-domain-sparse-attention-16045997817876 (READ-ONLY COPY).

The authoritative reference and input builder live on the scoring server;
editing this copy changes nothing except your own understanding.
"""

import jax, jax.numpy as jnp
import numpy as np
from jax import lax

N_, C_, L_ = 4, 64, 8192
N_HASHES = 4
REDUCTION = 4
CHUNK = 8
RES_SCALE = 1.0
HASH_BUCKETS = min(L_ // CHUNK + (L_ // CHUNK) % 2, 128)


def conv1d(x, w, pad):
    return lax.conv_general_dilated(x, w, window_strides=(1,), padding=[(pad, pad)], dimension_numbers=('NCH', 'OIH', 'NCH'))


def batchnorm(x, g, b, eps=1e-5):
    mean = jnp.mean(x, axis=(0, 2), keepdims=True)
    var = jnp.var(x, axis=(0, 2), keepdims=True)
    xhat = (x - mean) / jnp.sqrt(var + eps)
    return xhat * g[None, :, None] + b[None, :, None]


def setup_inputs(seed: int = 0):
    key = jax.random.key(seed)
    ks = jax.random.split(key, 4)
    Cr = C_ // REDUCTION
    return {
        'input_tensor': jax.random.normal(ks[0], (N_, C_, L_), dtype=jnp.float32),
        'conv_match_w': jax.random.normal(ks[1], (Cr, C_, 3), dtype=jnp.float32) * 0.05,
        'bn1_g': jnp.ones((Cr,), jnp.float32),
        'bn1_b': jnp.zeros((Cr,), jnp.float32),
        'conv_asm_w': jax.random.normal(ks[2], (C_, C_, 1), dtype=jnp.float32) * 0.05,
        'bn2_g': jnp.ones((C_,), jnp.float32),
        'bn2_b': jnp.zeros((C_,), jnp.float32),
        'bn3_g': jnp.ones((C_,), jnp.float32),
        'bn3_b': jnp.zeros((C_,), jnp.float32),
        'random_rotations': jax.random.normal(ks[3], (Cr, N_HASHES, HASH_BUCKETS // 2), dtype=jnp.float32),
    }


def _add_adjacent_buckets(x):
    back = jnp.roll(x, 1, axis=2)
    fwd = jnp.roll(x, -1, axis=2)
    return jnp.concatenate([x, back, fwd], axis=3)


def reference(input_tensor, conv_match_w, bn1_g, bn1_b, conv_asm_w, bn2_g, bn2_b, bn3_g, bn3_b, random_rotations):
    N, C, L = input_tensor.shape
    Cr = C // REDUCTION
    # conv_match: Conv1d(C, C/r, k=3, p=1) + BN + ReLU
    x_embed = jax.nn.relu(batchnorm(conv1d(input_tensor, conv_match_w, 1), bn1_g, bn1_b))
    x_embed = jnp.transpose(x_embed, (0, 2, 1))  # [N, L, Cr]
    # conv_assembly: Conv1d(C, C, k=1) + BN + ReLU
    y_embed = jax.nn.relu(batchnorm(conv1d(input_tensor, conv_asm_w, 0), bn2_g, bn2_b))
    y_embed = jnp.transpose(y_embed, (0, 2, 1))  # [N, L, C]
    # LSH hashing (rotations shared across batch, as torch expand does)
    rotated = jnp.einsum('btf,fhi->bhti', x_embed, random_rotations)
    rotated = jnp.concatenate([rotated, -rotated], axis=-1)
    hash_codes = jnp.argmax(rotated, axis=-1)  # [N, h, L] int
    offsets = jnp.arange(N_HASHES).reshape(1, -1, 1)
    hash_codes = (hash_codes + offsets).reshape(N, -1)
    hash_codes = lax.stop_gradient(hash_codes)
    indices = jnp.argsort(hash_codes, axis=-1)
    undo_sort = jnp.argsort(indices, axis=-1)
    mod_indices = indices % L
    x_sorted = jnp.take_along_axis(x_embed, mod_indices[:, :, None], axis=1)
    y_sorted = jnp.take_along_axis(y_embed, mod_indices[:, :, None], axis=1)
    x_blocks = x_sorted.reshape(N, N_HASHES, L // CHUNK, CHUNK, Cr)
    y_blocks = y_sorted.reshape(N, N_HASHES, L // CHUNK, CHUNK, C)
    # L % chunk_size == 0 so no padding branch
    nrm = jnp.linalg.norm(x_blocks, axis=-1, keepdims=True)
    x_match = x_blocks / jnp.maximum(nrm, 5e-5)
    x_match = _add_adjacent_buckets(x_match)
    y_adj = _add_adjacent_buckets(y_blocks)
    raw_score = jnp.einsum('bhkie,bhkje->bhkij', x_blocks, x_match)
    bucket_score = jax.scipy.special.logsumexp(raw_score, axis=-1, keepdims=True)
    score = jnp.exp(raw_score - bucket_score)
    att = jnp.einsum('bhkij,bhkje->bhkie', score, y_adj)
    att = att.reshape(N, N_HASHES * L, C)
    att = jnp.take_along_axis(att, undo_sort[:, :, None], axis=1)
    att = att.reshape(N, N_HASHES, L, C)
    bucket_score = bucket_score.reshape(N, N_HASHES, L, 1)
    probs = jax.nn.softmax(bucket_score, axis=1)
    final = jnp.sum(att * probs, axis=1)  # [N, L, C]
    final = jnp.transpose(final, (0, 2, 1))  # [N, C, L]
    final = batchnorm(final, bn3_g, bn3_b) * RES_SCALE + input_tensor
    return final

if __name__ == "__main__":
    import jax
    _d = setup_inputs()
    print(jax.jit(kernel)(*tuple(_d.values())))

</pallas_src>

<mosaic_0001>
#map = affine_map<(d0, d1) -> (0, 0)>
#map1 = affine_map<(d0, d1) -> (0)>
module attributes {stable_mosaic.version = 14 : i64} {
  func.func @k(%arg0: i32, %arg1: i32, %arg2: memref<131072x128xf32, #tpu.memory_space<hbm>>, %arg3: memref<131072xi32, #tpu.memory_space<hbm>>, %arg4: memref<131072x128xf32, #tpu.memory_space<hbm>>, %arg5: memref<512xi32, #tpu.memory_space<vmem>>, %arg6: memref<512x128xf32, #tpu.memory_space<vmem>>, %arg7: memref<!tpu.dma_semaphore, #tpu.memory_space<semaphore_mem>>) attributes {dimension_semantics = [#tpu.dimension_semantics<core_parallel>, #tpu.dimension_semantics<subcore_parallel>], iteration_bounds = array<i64: 2, 16>, scalar_prefetch = 0 : i64, scratch_operands = 3 : i64, tpu.core_type = #tpu.core_type<sc_vector_subcore>, window_params = [{transform_indices = #map}, {transform_indices = #map1}, {transform_indices = #map}]} {
    %mul3A = arith.constant 2 : i32
    %mul3A_0 = arith.muli %arg1, %mul3A : i32
    %add3A = arith.addi %mul3A_0, %arg0 : i32
    %mul3A_1 = arith.constant 4096 : i32
    %mul3A_2 = arith.muli %add3A, %mul3A_1 : i32
    %scan3A = arith.constant 0 : i32
    %scan3A_3 = arith.constant 0 : i32
    %scan3A_4 = arith.constant 8 : i32
    %scan3A_5 = arith.addi %scan3A_3, %scan3A_4 : i32
    %scan3A_6 = arith.constant 1 : i32
    scf.for %scan3A_8 = %scan3A_3 to %scan3A_5 step %scan3A_6  : i32 {
      %mul3A_9 = arith.constant 512 : i32
      %mul3A_10 = arith.muli %scan3A_8, %mul3A_9 : i32
      %add3A_11 = arith.addi %mul3A_2, %mul3A_10 : i32
      "tpu.region"() ({
        %run_scoped3A = tpu.sem_alloc : memref<!tpu.dma_semaphore, #tpu.memory_space<semaphore_mem>>
        %dma_start3A_16 = tpu.memref_slice %arg3[%add3A_11] : memref<131072xi32, #tpu.memory_space<hbm>> -> memref<512xi32, #tpu.memory_space<hbm>>
        %dma_start3A_17 = tpu.memref_slice %arg3[%add3A_11] : memref<131072xi32, #tpu.memory_space<hbm>> -> memref<512xi32, #tpu.memory_space<hbm>>
        tpu.enqueue_dma source(%dma_start3A_17 : memref<512xi32, #tpu.memory_space<hbm>>) target(%arg5 : memref<512xi32, #tpu.memory_space<vmem>>) target_semaphore(%run_scoped3A : memref<!tpu.dma_semaphore, #tpu.memory_space<semaphore_mem>>)
        %dma_wait3A_18 = tpu.memref_slice %arg3[%add3A_11] : memref<131072xi32, #tpu.memory_space<hbm>> -> memref<512xi32, #tpu.memory_space<hbm>>
        %dma_wait3A_19 = tpu.memref_slice %arg3[%add3A_11] : memref<131072xi32, #tpu.memory_space<hbm>> -> memref<512xi32, #tpu.memory_space<hbm>>
        tpu.wait_dma2 semaphore(%run_scoped3A : memref<!tpu.dma_semaphore, #tpu.memory_space<semaphore_mem>>) src(%dma_wait3A_19 : memref<512xi32, #tpu.memory_space<hbm>>) dst(%arg5 : memref<512xi32, #tpu.memory_space<vmem>>)
        tpu.yield
      }) : () -> ()
      %dma_start3A = arith.constant 0 : i32
      %dma_start3A_12 = arith.constant 0 : i32
      %dma_start3A_13 = tpu.memref_slice %arg2[%dma_start3A, %dma_start3A_12] : memref<131072x128xf32, #tpu.memory_space<hbm>> -> memref<131072x128xf32, #tpu.memory_space<hbm>>
      tpu.enqueue_indirect_dma source(%dma_start3A_13 : memref<131072x128xf32, #tpu.memory_space<hbm>>) target(%arg6 : memref<512x128xf32, #tpu.memory_space<vmem>>) offsets(%arg5 : memref<512xi32, #tpu.memory_space<vmem>>) semaphore(%arg7 : memref<!tpu.dma_semaphore, #tpu.memory_space<semaphore_mem>>)
      %dma_wait3A = arith.constant 0 : i32
      %dma_wait3A_14 = arith.constant 0 : i32
      %dma_wait3A_15 = tpu.memref_slice %arg2[%dma_wait3A, %dma_wait3A_14] : memref<131072x128xf32, #tpu.memory_space<hbm>> -> memref<131072x128xf32, #tpu.memory_space<hbm>>
      tpu.wait_indirect_dma semaphore(%arg7 : memref<!tpu.dma_semaphore, #tpu.memory_space<semaphore_mem>>) src(%dma_wait3A_15 : memref<131072x128xf32, #tpu.memory_space<hbm>>) dst(%arg6 : memref<512x128xf32, #tpu.memory_space<vmem>>)
      "tpu.region"() ({
        %run_scoped3A = tpu.sem_alloc : memref<!tpu.dma_semaphore, #tpu.memory_space<semaphore_mem>>
        %dma_start3A_16 = arith.constant 0 : i32
        %dma_start3A_17 = tpu.memref_slice %arg4[%add3A_11, %dma_start3A_16] : memref<131072x128xf32, #tpu.memory_space<hbm>> -> memref<512x128xf32, #tpu.memory_space<hbm>>
        %dma_start3A_18 = arith.constant 0 : i32
        %dma_start3A_19 = tpu.memref_slice %arg4[%add3A_11, %dma_start3A_18] : memref<131072x128xf32, #tpu.memory_space<hbm>> -> memref<512x128xf32, #tpu.memory_space<hbm>>
        tpu.enqueue_dma source(%arg6 : memref<512x128xf32, #tpu.memory_space<vmem>>) target(%dma_start3A_19 : memref<512x128xf32, #tpu.memory_space<hbm>>) target_semaphore(%run_scoped3A : memref<!tpu.dma_semaphore, #tpu.memory_space<semaphore_mem>>)
        %dma_wait3A_20 = arith.constant 0 : i32
        %dma_wait3A_21 = tpu.memref_slice %arg4[%add3A_11, %dma_wait3A_20] : memref<131072x128xf32, #tpu.memory_space<hbm>> -> memref<512x128xf32, #tpu.memory_space<hbm>>
        %dma_wait3A_22 = arith.constant 0 : i32
        %dma_wait3A_23 = tpu.memref_slice %arg4[%add3A_11, %dma_wait3A_22] : memref<131072x128xf32, #tpu.memory_space<hbm>> -> memref<512x128xf32, #tpu.memory_space<hbm>>
        tpu.wait_dma2 semaphore(%run_scoped3A : memref<!tpu.dma_semaphore, #tpu.memory_space<semaphore_mem>>) src(%arg6 : memref<512x128xf32, #tpu.memory_space<vmem>>) dst(%dma_wait3A_23 : memref<512x128xf32, #tpu.memory_space<hbm>>)
        tpu.yield
      }) : () -> ()
    }
    %scan3A_7 = arith.constant 8 : i32
    return
  }
}

#map = affine_map<(d0, d1) -> (0)>
module attributes {stable_mosaic.version = 14 : i64} {
  func.func @k(%arg0: i32, %arg1: i32, %arg2: memref<131072xi32, #tpu.memory_space<hbm>>, %arg3: memref<131072xi32, #tpu.memory_space<hbm>>, %arg4: memref<32768xi32, #tpu.memory_space<vmem>>, %arg5: memref<1024xi32, #tpu.memory_space<vmem>>) attributes {dimension_semantics = [#tpu.dimension_semantics<core_parallel>, #tpu.dimension_semantics<subcore_parallel>], iteration_bounds = array<i64: 2, 16>, scalar_prefetch = 0 : i64, scratch_operands = 2 : i64, tpu.core_type = #tpu.core_type<sc_vector_subcore>, window_params = [{transform_indices = #map}, {transform_indices = #map}]} {
    %mul3A = arith.constant 2 : i32
    %mul3A_0 = arith.muli %arg1, %mul3A : i32
    %add3A = arith.addi %mul3A_0, %arg0 : i32
    %lt3A = arith.constant 4 : i32
    %lt3A_1 = arith.cmpi slt, %add3A, %lt3A : i32
    %convert_element_type3A = arith.extui %lt3A_1 : i1 to i32
    %cond3A = arith.constant 0 : i32
    %cond3A_2 = arith.cmpi ne, %convert_element_type3A, %cond3A : i32
    scf.if %cond3A_2 {
      %scan3A = arith.constant 0 : i32
      %scan3A_3 = arith.constant 0 : i32
      %scan3A_4 = arith.constant 32 : i32
      %scan3A_5 = arith.addi %scan3A_3, %scan3A_4 : i32
      %scan3A_6 = arith.constant 1 : i32
      scf.for %scan3A_10 = %scan3A_3 to %scan3A_5 step %scan3A_6  : i32 {
        %mul3A_11 = arith.constant 1024 : i32
        %mul3A_12 = arith.muli %scan3A_10, %mul3A_11 : i32
        %mul3A_13 = arith.constant 32768 : i32
        %mul3A_14 = arith.muli %add3A, %mul3A_13 : i32
        %add3A_15 = arith.addi %mul3A_14, %mul3A_12 : i32
        "tpu.region"() ({
          %run_scoped3A = tpu.sem_alloc : memref<!tpu.dma_semaphore, #tpu.memory_space<semaphore_mem>>
          %dma_start3A = tpu.memref_slice %arg2[%add3A_15] : memref<131072xi32, #tpu.memory_space<hbm>> -> memref<1024xi32, #tpu.memory_space<hbm>>
          %dma_start3A_22 = tpu.memref_slice %arg2[%add3A_15] : memref<131072xi32, #tpu.memory_space<hbm>> -> memref<1024xi32, #tpu.memory_space<hbm>>
          tpu.enqueue_dma source(%dma_start3A_22 : memref<1024xi32, #tpu.memory_space<hbm>>) target(%arg5 : memref<1024xi32, #tpu.memory_space<vmem>>) target_semaphore(%run_scoped3A : memref<!tpu.dma_semaphore, #tpu.memory_space<semaphore_mem>>)
          %dma_wait3A = tpu.memref_slice %arg2[%add3A_15] : memref<131072xi32, #tpu.memory_space<hbm>> -> memref<1024xi32, #tpu.memory_space<hbm>>
          %dma_wait3A_23 = tpu.memref_slice %arg2[%add3A_15] : memref<131072xi32, #tpu.memory_space<hbm>> -> memref<1024xi32, #tpu.memory_space<hbm>>
          tpu.wait_dma2 semaphore(%run_scoped3A : memref<!tpu.dma_semaphore, #tpu.memory_space<semaphore_mem>>) src(%dma_wait3A_23 : memref<1024xi32, #tpu.memory_space<hbm>>) dst(%arg5 : memref<1024xi32, #tpu.memory_space<vmem>>)
          tpu.yield
        }) : () -> ()
        %scan3A_16 = arith.constant 0 : i32
        %scan3A_17 = arith.constant 0 : i32
        %scan3A_18 = arith.constant 64 : i32
        %scan3A_19 = arith.addi %scan3A_17, %scan3A_18 : i32
        %scan3A_20 = arith.constant 1 : i32
        scf.for %scan3A_22 = %scan3A_17 to %scan3A_19 step %scan3A_20  : i32 {
          %mul3A_23 = arith.constant 16 : i32
          %mul3A_24 = arith.muli %scan3A_22, %mul3A_23 : i32
          %get3A = arith.index_cast %mul3A_24 : i32 to index
          %get3A_25 = tpu.vector_load %arg5[%get3A] {strides = array<i32>} : memref<1024xi32, #tpu.memory_space<vmem>>, vector<16xi32>,
          %mul3A_26 = arith.constant 32768 : i32
          %mul3A_27 = arith.muli %add3A, %mul3A_26 : i32
          %sub3A = vector.broadcast %mul3A_27 : i32 to vector<16xi32>
          %sub3A_28 = arith.subi %get3A_25, %sub3A : vector<16xi32>
          %mul3A_29 = arith.constant 16 : i32
          %mul3A_30 = arith.muli %scan3A_22, %mul3A_29 : i32
          %add3A_31 = arith.addi %mul3A_12, %mul3A_30 : i32
          %iota3A = tpu.iota {dimensions = array<i32: 0>} : vector<16xi32>
          %add3A_32 = vector.broadcast %add3A_31 : i32 to vector<16xi32>
          %add3A_33 = arith.addi %add3A_32, %iota3A : vector<16xi32>
          %mul3A_34 = arith.constant 8192 : i32
          %mul3A_35 = arith.muli %add3A, %mul3A_34 : i32
          %and3A = arith.constant 8191 : i32
          %and3A_36 = vector.broadcast %and3A : i32 to vector<16xi32>
          %and3A_37 = arith.andi %add3A_33, %and3A_36 : vector<16xi32>
          %add3A_38 = vector.broadcast %mul3A_35 : i32 to vector<16xi32>
          %add3A_39 = arith.addi %add3A_38, %and3A_37 : vector<16xi32>
          tpu.vector_store_idx %arg4[%sub3A_28], %add3A_39 : memref<32768xi32, #tpu.memory_space<vmem>>[vector<16xi32>], vector<16xi32>,
        }
        %scan3A_21 = arith.constant 64 : i32
      }
      %scan3A_7 = arith.constant 32 : i32
      %mul3A_8 = arith.constant 32768 : i32
      %mul3A_9 = arith.muli %add3A, %mul3A_8 : i32
      "tpu.region"() ({
        %run_scoped3A = tpu.sem_alloc : memref<!tpu.dma_semaphore, #tpu.memory_space<semaphore_mem>>
        %dma_start3A = tpu.memref_slice %arg3[%mul3A_9] : memref<131072xi32, #tpu.memory_space<hbm>> -> memref<32768xi32, #tpu.memory_space<hbm>>
        %dma_start3A_10 = tpu.memref_slice %arg3[%mul3A_9] : memref<131072xi32, #tpu.memory_space<hbm>> -> memref<32768xi32, #tpu.memory_space<hbm>>
        tpu.enqueue_dma source(%arg4 : memref<32768xi32, #tpu.memory_space<vmem>>) target(%dma_start3A_10 : memref<32768xi32, #tpu.memory_space<hbm>>) target_semaphore(%run_scoped3A : memref<!tpu.dma_semaphore, #tpu.memory_space<semaphore_mem>>)
        %dma_wait3A = tpu.memref_slice %arg3[%mul3A_9] : memref<131072xi32, #tpu.memory_space<hbm>> -> memref<32768xi32, #tpu.memory_space<hbm>>
        %dma_wait3A_11 = tpu.memref_slice %arg3[%mul3A_9] : memref<131072xi32, #tpu.memory_space<hbm>> -> memref<32768xi32, #tpu.memory_space<hbm>>
        tpu.wait_dma2 semaphore(%run_scoped3A : memref<!tpu.dma_semaphore, #tpu.memory_space<semaphore_mem>>) src(%arg4 : memref<32768xi32, #tpu.memory_space<vmem>>) dst(%dma_wait3A_11 : memref<32768xi32, #tpu.memory_space<hbm>>)
        tpu.yield
      }) : () -> ()
    } else {
    }
    return
  }
}

#map = affine_map<(d0, d1) -> (0, 0)>
#map1 = affine_map<(d0, d1) -> (0)>
module attributes {stable_mosaic.version = 14 : i64} {
  func.func @k(%arg0: i32, %arg1: i32, %arg2: memref<32768x128xf32, #tpu.memory_space<hbm>>, %arg3: memref<131072xi32, #tpu.memory_space<hbm>>, %arg4: memref<131072x128xf32, #tpu.memory_space<hbm>>, %arg5: memref<512xi32, #tpu.memory_space<vmem>>, %arg6: memref<512x128xf32, #tpu.memory_space<vmem>>, %arg7: memref<!tpu.dma_semaphore, #tpu.memory_space<semaphore_mem>>) attributes {dimension_semantics = [#tpu.dimension_semantics<core_parallel>, #tpu.dimension_semantics<subcore_parallel>], iteration_bounds = array<i64: 2, 16>, scalar_prefetch = 0 : i64, scratch_operands = 3 : i64, tpu.core_type = #tpu.core_type<sc_vector_subcore>, window_params = [{transform_indices = #map}, {transform_indices = #map1}, {transform_indices = #map}]} {
    %mul3A = arith.constant 2 : i32
    %mul3A_0 = arith.muli %arg1, %mul3A : i32
    %add3A = arith.addi %mul3A_0, %arg0 : i32
    %mul3A_1 = arith.constant 4096 : i32
    %mul3A_2 = arith.muli %add3A, %mul3A_1 : i32
    %scan3A = arith.constant 0 : i32
    %scan3A_3 = arith.constant 0 : i32
    %scan3A_4 = arith.constant 8 : i32
    %scan3A_5 = arith.addi %scan3A_3, %scan3A_4 : i32
    %scan3A_6 = arith.constant 1 : i32
    scf.for %scan3A_8 = %scan3A_3 to %scan3A_5 step %scan3A_6  : i32 {
      %mul3A_9 = arith.constant 512 : i32
      %mul3A_10 = arith.muli %scan3A_8, %mul3A_9 : i32
      %add3A_11 = arith.addi %mul3A_2, %mul3A_10 : i32
      "tpu.region"() ({
        %run_scoped3A = tpu.sem_alloc : memref<!tpu.dma_semaphore, #tpu.memory_space<semaphore_mem>>
        %dma_start3A_16 = tpu.memref_slice %arg3[%add3A_11] : memref<131072xi32, #tpu.memory_space<hbm>> -> memref<512xi32, #tpu.memory_space<hbm>>
        %dma_start3A_17 = tpu.memref_slice %arg3[%add3A_11] : memref<131072xi32, #tpu.memory_space<hbm>> -> memref<512xi32, #tpu.memory_space<hbm>>
        tpu.enqueue_dma source(%dma_start3A_17 : memref<512xi32, #tpu.memory_space<hbm>>) target(%arg5 : memref<512xi32, #tpu.memory_space<vmem>>) target_semaphore(%run_scoped3A : memref<!tpu.dma_semaphore, #tpu.memory_space<semaphore_mem>>)
        %dma_wait3A_18 = tpu.memref_slice %arg3[%add3A_11] : memref<131072xi32, #tpu.memory_space<hbm>> -> memref<512xi32, #tpu.memory_space<hbm>>
        %dma_wait3A_19 = tpu.memref_slice %arg3[%add3A_11] : memref<131072xi32, #tpu.memory_space<hbm>> -> memref<512xi32, #tpu.memory_space<hbm>>
        tpu.wait_dma2 semaphore(%run_scoped3A : memref<!tpu.dma_semaphore, #tpu.memory_space<semaphore_mem>>) src(%dma_wait3A_19 : memref<512xi32, #tpu.memory_space<hbm>>) dst(%arg5 : memref<512xi32, #tpu.memory_space<vmem>>)
        tpu.yield
      }) : () -> ()
      %dma_start3A = arith.constant 0 : i32
      %dma_start3A_12 = arith.constant 0 : i32
      %dma_start3A_13 = tpu.memref_slice %arg2[%dma_start3A, %dma_start3A_12] : memref<32768x128xf32, #tpu.memory_space<hbm>> -> memref<32768x128xf32, #tpu.memory_space<hbm>>
      tpu.enqueue_indirect_dma source(%dma_start3A_13 : memref<32768x128xf32, #tpu.memory_space<hbm>>) target(%arg6 : memref<512x128xf32, #tpu.memory_space<vmem>>) offsets(%arg5 : memref<512xi32, #tpu.memory_space<vmem>>) semaphore(%arg7 : memref<!tpu.dma_semaphore, #tpu.memory_space<semaphore_mem>>)
      %dma_wait3A = arith.constant 0 : i32
      %dma_wait3A_14 = arith.constant 0 : i32
      %dma_wait3A_15 = tpu.memref_slice %arg2[%dma_wait3A, %dma_wait3A_14] : memref<32768x128xf32, #tpu.memory_space<hbm>> -> memref<32768x128xf32, #tpu.memory_space<hbm>>
      tpu.wait_indirect_dma semaphore(%arg7 : memref<!tpu.dma_semaphore, #tpu.memory_space<semaphore_mem>>) src(%dma_wait3A_15 : memref<32768x128xf32, #tpu.memory_space<hbm>>) dst(%arg6 : memref<512x128xf32, #tpu.memory_space<vmem>>)
      "tpu.region"() ({
        %run_scoped3A = tpu.sem_alloc : memref<!tpu.dma_semaphore, #tpu.memory_space<semaphore_mem>>
        %dma_start3A_16 = arith.constant 0 : i32
        %dma_start3A_17 = tpu.memref_slice %arg4[%add3A_11, %dma_start3A_16] : memref<131072x128xf32, #tpu.memory_space<hbm>> -> memref<512x128xf32, #tpu.memory_space<hbm>>
        %dma_start3A_18 = arith.constant 0 : i32
        %dma_start3A_19 = tpu.memref_slice %arg4[%add3A_11, %dma_start3A_18] : memref<131072x128xf32, #tpu.memory_space<hbm>> -> memref<512x128xf32, #tpu.memory_space<hbm>>
        tpu.enqueue_dma source(%arg6 : memref<512x128xf32, #tpu.memory_space<vmem>>) target(%dma_start3A_19 : memref<512x128xf32, #tpu.memory_space<hbm>>) target_semaphore(%run_scoped3A : memref<!tpu.dma_semaphore, #tpu.memory_space<semaphore_mem>>)
        %dma_wait3A_20 = arith.constant 0 : i32
        %dma_wait3A_21 = tpu.memref_slice %arg4[%add3A_11, %dma_wait3A_20] : memref<131072x128xf32, #tpu.memory_space<hbm>> -> memref<512x128xf32, #tpu.memory_space<hbm>>
        %dma_wait3A_22 = arith.constant 0 : i32
        %dma_wait3A_23 = tpu.memref_slice %arg4[%add3A_11, %dma_wait3A_22] : memref<131072x128xf32, #tpu.memory_space<hbm>> -> memref<512x128xf32, #tpu.memory_space<hbm>>
        tpu.wait_dma2 semaphore(%run_scoped3A : memref<!tpu.dma_semaphore, #tpu.memory_space<semaphore_mem>>) src(%arg6 : memref<512x128xf32, #tpu.memory_space<vmem>>) dst(%dma_wait3A_23 : memref<512x128xf32, #tpu.memory_space<hbm>>)
        tpu.yield
      }) : () -> ()
    }
    %scan3A_7 = arith.constant 8 : i32
    return
  }
}

module attributes {stable_mosaic.version = 14 : i64} {
  func.func @_stats_body(%arg0: i32, %arg1: i32, %arg2: memref<1x2048x64xf32, #tpu.memory_space<vmem>>, %arg3: memref<1x1x8x64xf32, #tpu.memory_space<vmem>>, %arg4: memref<1x1x8x64xf32, #tpu.memory_space<vmem>>, %arg5: memref<192x16xf32, #tpu.memory_space<vmem>>, %arg6: memref<64x64xf32, #tpu.memory_space<vmem>>, %arg7: memref<8x128xf32, #tpu.memory_space<vmem>>) attributes {dimension_semantics = [#tpu.dimension_semantics<arbitrary>, #tpu.dimension_semantics<arbitrary>], iteration_bounds = array<i64: 4, 4>, scalar_prefetch = 0 : i64, scratch_operands = 0 : i64, tpu.core_type = #tpu.core_type<tc>, window_params = [{transform_indices = @transform_0, window_bounds = array<i64: 1, 2048, 64>}, {transform_indices = @transform_1, window_bounds = array<i64: 1, 1, 8, 64>}, {transform_indices = @transform_2, window_bounds = array<i64: 1, 1, 8, 64>}, {pipeline_mode = #tpu.pipeline_mode<synchronous>, transform_indices = @transform_3, window_bounds = array<i64: 192, 16>}, {pipeline_mode = #tpu.pipeline_mode<synchronous>, transform_indices = @transform_4, window_bounds = array<i64: 64, 64>}, {pipeline_mode = #tpu.pipeline_mode<synchronous>, transform_indices = @transform_5, window_bounds = array<i64: 8, 128>}]} {
    %get3A = arith.constant 0 : index
    %get3A_0 = arith.constant 0 : index
    %get3A_1 = arith.constant 0 : index
    %get3A_2 = vector.load %arg2[%get3A, %get3A_0, %get3A_1] : memref<1x2048x64xf32, #tpu.memory_space<vmem>>, vector<1x2048x64xf32>
    %get3A_3 = vector.shape_cast %get3A_2 : vector<1x2048x64xf32> to vector<2048x64xf32>
    %iota3A = tpu.iota {dimensions = array<i32: 0>} : vector<2048x1xi32>
    %get3A_4 = arith.constant 0 : index
    %get3A_5 = arith.constant 0 : index
    %get3A_6 = arith.constant 7 : index
    %get3A_7 = arith.constant 0 : index
    %get3A_8 = vector.load %arg3[%get3A_4, %get3A_5, %get3A_6, %get3A_7] : memref<1x1x8x64xf32, #tpu.memory_space<vmem>>, vector<1x1x1x64xf32>
    %get3A_9 = vector.shape_cast %get3A_8 : vector<1x1x1x64xf32> to vector<1x64xf32>
    %eq3A = arith.constant 0 : i32
    %eq3A_10 = arith.cmpi eq, %arg1, %eq3A : i32
    %jit3A = arith.constant 0.000000e+00 : f32
    %jit3A_11 = arith.constant 1.000000e+00 : f32
    %select_n3A = arith.select %eq3A_10, %jit3A, %jit3A_11 : f32
    %mul3A = vector.broadcast %select_n3A : f32 to vector<1x64xf32>
    %mul3A_12 = arith.mulf %get3A_9, %mul3A : vector<1x64xf32>
    %get3A_13 = arith.constant 0 : index
    %get3A_14 = arith.constant 0 : index
    %get3A_15 = arith.constant 0 : index
    %get3A_16 = arith.constant 0 : index
    %get3A_17 = vector.load %arg4[%get3A_13, %get3A_14, %get3A_15, %get3A_16] : memref<1x1x8x64xf32, #tpu.memory_space<vmem>>, vector<1x1x1x64xf32>
    %get3A_18 = vector.shape_cast %get3A_17 : vector<1x1x1x64xf32> to vector<1x64xf32>
    %eq3A_19 = arith.constant 3 : i32
    %eq3A_20 = arith.cmpi eq, %arg1, %eq3A_19 : i32
    %jit3A_21 = arith.constant 0.000000e+00 : f32
    %jit3A_22 = arith.constant 1.000000e+00 : f32
    %select_n3A_23 = arith.select %eq3A_20, %jit3A_21, %jit3A_22 : f32
    %mul3A_24 = vector.broadcast %select_n3A_23 : f32 to vector<1x64xf32>
    %mul3A_25 = arith.mulf %get3A_18, %mul3A_24 : vector<1x64xf32>
    %eq3A_26 = arith.constant 0 : i32
    %eq3A_27 = vector.broadcast %eq3A_26 : i32 to vector<2048x1xi32>
    %eq3A_28 = arith.cmpi eq, %iota3A, %eq3A_27 : vector<2048x1xi32>
    %roll3A = arith.constant 1 : i32
    %roll3A_29 = tpu.dynamic_rotate %get3A_3 by %roll3A dim 0 : vector<2048x64xf32>, i32 -> vector<2048x64xf32>
    %broadcast_in_dim3A = vector.shape_cast %eq3A_28 : vector<2048x1xi1> to vector<2048x1xi1>
    %broadcast_in_dim3A_30 = vector.broadcast %broadcast_in_dim3A : vector<2048x1xi1> to vector<2048x64xi1>
    %broadcast_in_dim3A_31 = vector.shape_cast %mul3A_12 : vector<1x64xf32> to vector<1x64xf32>
    %broadcast_in_dim3A_32 = vector.broadcast %broadcast_in_dim3A_31 : vector<1x64xf32> to vector<2048x64xf32>
    %select_n3A_33 = arith.select %broadcast_in_dim3A_30, %broadcast_in_dim3A_32, %roll3A_29 : vector<2048x64xi1>, vector<2048x64xf32>
    %eq3A_34 = arith.constant 2047 : i32
    %eq3A_35 = vector.broadcast %eq3A_34 : i32 to vector<2048x1xi32>
    %eq3A_36 = arith.cmpi eq, %iota3A, %eq3A_35 : vector<2048x1xi32>
    %roll3A_37 = arith.constant 2047 : i32
    %roll3A_38 = tpu.dynamic_rotate %get3A_3 by %roll3A_37 dim 0 : vector<2048x64xf32>, i32 -> vector<2048x64xf32>
    %broadcast_in_dim3A_39 = vector.shape_cast %eq3A_36 : vector<2048x1xi1> to vector<2048x1xi1>
    %broadcast_in_dim3A_40 = vector.broadcast %broadcast_in_dim3A_39 : vector<2048x1xi1> to vector<2048x64xi1>
    %broadcast_in_dim3A_41 = vector.shape_cast %mul3A_25 : vector<1x64xf32> to vector<1x64xf32>
    %broadcast_in_dim3A_42 = vector.broadcast %broadcast_in_dim3A_41 : vector<1x64xf32> to vector<2048x64xf32>
    %select_n3A_43 = arith.select %broadcast_in_dim3A_40, %broadcast_in_dim3A_42, %roll3A_38 : vector<2048x64xi1>, vector<2048x64xf32>
    %concatenate3A = tpu.concatenate %select_n3A_33, %get3A_3, %select_n3A_43 in 1 : vector<2048x64xf32>, vector<2048x64xf32>, vector<2048x64xf32> -> vector<2048x192xf32>
    %get3A_44 = arith.constant 0 : index
    %get3A_45 = arith.constant 0 : index
    %get3A_46 = vector.load %arg5[%get3A_44, %get3A_45] : memref<192x16xf32, #tpu.memory_space<vmem>>, vector<192x16xf32>
    %dot_general3A = arith.constant dense<0.000000e+00> : vector<2048x16xf32>
    %dot_general3A_47 = tpu.matmul %concatenate3A, %get3A_46, %dot_general3A {dimension_numbers = #tpu.dot_dimension_numbers<[1], [0], [0], [1], [0, 0, 1, 1], [], []>, transpose_lhs_hint = false} : vector<2048x192xf32>, vector<192x16xf32>, vector<2048x16xf32> -> vector<2048x16xf32>
    %get3A_48 = arith.constant 0 : index
    %get3A_49 = arith.constant 0 : index
    %get3A_50 = vector.load %arg6[%get3A_48, %get3A_49] : memref<64x64xf32, #tpu.memory_space<vmem>>, vector<64x64xf32>
    %dot_general3A_51 = arith.constant dense<0.000000e+00> : vector<2048x64xf32>
    %dot_general3A_52 = tpu.matmul %get3A_3, %get3A_50, %dot_general3A_51 {dimension_numbers = #tpu.dot_dimension_numbers<[1], [0], [0], [1], [0, 0, 1, 1], [], []>, transpose_lhs_hint = false} : vector<2048x64xf32>, vector<64x64xf32>, vector<2048x64xf32> -> vector<2048x64xf32>
    %reduce_sum3A = arith.constant dense<0.000000e+00> : vector<16xf32>
    %reduce_sum3A_53 = vector.multi_reduction <add>, %dot_general3A_47, %reduce_sum3A [0] : vector<2048x16xf32> to vector<16xf32>
    %broadcast_in_dim3A_54 = vector.shape_cast %reduce_sum3A_53 : vector<16xf32> to vector<1x16xf32>
    %mul3A_55 = arith.mulf %dot_general3A_47, %dot_general3A_47 : vector<2048x16xf32>
    %reduce_sum3A_56 = arith.constant dense<0.000000e+00> : vector<16xf32>
    %reduce_sum3A_57 = vector.multi_reduction <add>, %mul3A_55, %reduce_sum3A_56 [0] : vector<2048x16xf32> to vector<16xf32>
    %broadcast_in_dim3A_58 = vector.shape_cast %reduce_sum3A_57 : vector<16xf32> to vector<1x16xf32>
    %reduce_sum3A_59 = arith.constant dense<0.000000e+00> : vector<64xf32>
    %reduce_sum3A_60 = vector.multi_reduction <add>, %dot_general3A_52, %reduce_sum3A_59 [0] : vector<2048x64xf32> to vector<64xf32>
    %broadcast_in_dim3A_61 = vector.shape_cast %reduce_sum3A_60 : vector<64xf32> to vector<1x64xf32>
    %mul3A_62 = arith.mulf %dot_general3A_52, %dot_general3A_52 : vector<2048x64xf32>
    %reduce_sum3A_63 = arith.constant dense<0.000000e+00> : vector<64xf32>
    %reduce_sum3A_64 = vector.multi_reduction <add>, %mul3A_62, %reduce_sum3A_63 [0] : vector<2048x64xf32> to vector<64xf32>
    %broadcast_in_dim3A_65 = vector.shape_cast %reduce_sum3A_64 : vector<64xf32> to vector<1x64xf32>
    %broadcast_in_dim3A_66 = arith.constant 0.000000e+00 : f32
    %broadcast_in_dim3A_67 = vector.broadcast %broadcast_in_dim3A_66 : f32 to vector<1x112xf32>
    %broadcast_in_dim3A_68 = arith.constant 0.000000e+00 : f32
    %broadcast_in_dim3A_69 = vector.broadcast %broadcast_in_dim3A_68 : f32 to vector<1x64xf32>
    %concatenate3A_70 = tpu.concatenate %broadcast_in_dim3A_54, %broadcast_in_dim3A_67 in 1 : vector<1x16xf32>, vector<1x112xf32> -> vector<1x128xf32>
    %concatenate3A_71 = tpu.concatenate %broadcast_in_dim3A_58, %broadcast_in_dim3A_67 in 1 : vector<1x16xf32>, vector<1x112xf32> -> vector<1x128xf32>
    %concatenate3A_72 = tpu.concatenate %broadcast_in_dim3A_61, %broadcast_in_dim3A_69 in 1 : vector<1x64xf32>, vector<1x64xf32> -> vector<1x128xf32>
    %concatenate3A_73 = tpu.concatenate %broadcast_in_dim3A_65, %broadcast_in_dim3A_69 in 1 : vector<1x64xf32>, vector<1x64xf32> -> vector<1x128xf32>
    %broadcast_in_dim3A_74 = arith.constant 0.000000e+00 : f32
    %broadcast_in_dim3A_75 = vector.broadcast %broadcast_in_dim3A_74 : f32 to vector<4x128xf32>
    %concatenate3A_76 = tpu.concatenate %concatenate3A_70, %concatenate3A_71, %concatenate3A_72, %concatenate3A_73, %broadcast_in_dim3A_75 in 0 : vector<1x128xf32>, vector<1x128xf32>, vector<1x128xf32>, vector<1x128xf32>, vector<4x128xf32> -> vector<8x128xf32>
    %eq3A_77 = arith.constant 0 : i32
    %eq3A_78 = arith.cmpi eq, %arg0, %eq3A_77 : i32
    %eq3A_79 = arith.constant 0 : i32
    %eq3A_80 = arith.cmpi eq, %arg1, %eq3A_79 : i32
    %and3A = arith.andi %eq3A_78, %eq3A_80 : i1
    %convert_element_type3A = arith.extui %and3A : i1 to i32
    %cond3A = arith.constant 0 : i32
    %cond3A_81 = arith.cmpi ne, %convert_element_type3A, %cond3A : i32
    scf.if %cond3A_81 {
      %swap3A = arith.constant 0 : index
      %swap3A_86 = arith.constant 0 : index
      %swap3A_87 = vector.load %arg7[%swap3A, %swap3A_86] : memref<8x128xf32, #tpu.memory_space<vmem>>, vector<8x128xf32>
      tpu.vector_store %arg7[%swap3A, %swap3A_86], %concatenate3A_76 {strides = array<i32>} : memref<8x128xf32, #tpu.memory_space<vmem>>, vector<8x128xf32>,
    } else {
    }
    %not3A = arith.constant true
    %not3A_82 = arith.xori %and3A, %not3A : i1
    %convert_element_type3A_83 = arith.extui %not3A_82 : i1 to i32
    %cond3A_84 = arith.constant 0 : i32
    %cond3A_85 = arith.cmpi ne, %convert_element_type3A_83, %cond3A_84 : i32
    scf.if %cond3A_85 {
      %get3A_86 = arith.constant 0 : index
      %get3A_87 = arith.constant 0 : index
      %get3A_88 = vector.load %arg7[%get3A_86, %get3A_87] : memref<8x128xf32, #tpu.memory_space<vmem>>, vector<8x128xf32>
      %add3A = arith.addf %get3A_88, %concatenate3A_76 : vector<8x128xf32>
      %swap3A = arith.constant 0 : index
      %swap3A_89 = arith.constant 0 : index
      %swap3A_90 = vector.load %arg7[%swap3A, %swap3A_89] : memref<8x128xf32, #tpu.memory_space<vmem>>, vector<8x128xf32>
      tpu.vector_store %arg7[%swap3A, %swap3A_89], %add3A {strides = array<i32>} : memref<8x128xf32, #tpu.memory_space<vmem>>, vector<8x128xf32>,
    } else {
    }
    return
  }
  func.func @transform_0(%arg0: i32, %arg1: i32) -> (i32, i32, i32) {
    %c0_i32 = arith.constant 0 : i32
    %c0_i32_0 = arith.constant 0 : i32
    return %arg0, %arg1, %c0_i32 : i32, i32, i32
  }
  func.func @transform_1(%arg0: i32, %arg1: i32) -> (i32, i32, i32, i32) {
    %mul3A = arith.constant 256 : i32
    %mul3A_0 = arith.muli %arg1, %mul3A : i32
    %sub3A = arith.constant 1 : i32
    %sub3A_1 = arith.subi %mul3A_0, %sub3A : i32
    %jit3A = arith.constant 1024 : i32
    %eq3A = arith.constant 0 : i32
    %eq3A_2 = arith.cmpi eq, %jit3A, %eq3A : i32
    %jit3A_3 = arith.constant 1 : i32
    %select_n3A = arith.select %eq3A_2, %jit3A_3, %jit3A : i32
    %rem3A = arith.remsi %sub3A_1, %select_n3A : i32
    %ne3A = arith.constant 0 : i32
    %ne3A_4 = arith.cmpi ne, %rem3A, %ne3A : i32
    %lt3A = arith.constant 0 : i32
    %lt3A_5 = arith.cmpi slt, %rem3A, %lt3A : i32
    %lt3A_6 = arith.constant 0 : i32
    %lt3A_7 = arith.cmpi slt, %select_n3A, %lt3A_6 : i32
    %ne3A_8 = arith.xori %lt3A_5, %lt3A_7 : i1
    %and3A = arith.andi %ne3A_8, %ne3A_4 : i1
    %add3A = arith.addi %rem3A, %select_n3A : i32
    %select_n3A_9 = arith.select %and3A, %add3A, %rem3A : i32
    %c0_i32 = arith.constant 0 : i32
    %c0_i32_10 = arith.constant 0 : i32
    %c0_i32_11 = arith.constant 0 : i32
    return %arg0, %select_n3A_9, %c0_i32, %c0_i32_10 : i32, i32, i32, i32
  }
  func.func @transform_2(%arg0: i32, %arg1: i32) -> (i32, i32, i32, i32) {
    %mul3A = arith.constant 256 : i32
    %mul3A_0 = arith.muli %arg1, %mul3A : i32
    %add3A = arith.constant 256 : i32
    %add3A_1 = arith.addi %mul3A_0, %add3A : i32
    %jit3A = arith.constant 1024 : i32
    %eq3A = arith.constant 0 : i32
    %eq3A_2 = arith.cmpi eq, %jit3A, %eq3A : i32
    %jit3A_3 = arith.constant 1 : i32
    %select_n3A = arith.select %eq3A_2, %jit3A_3, %jit3A : i32
    %rem3A = arith.remsi %add3A_1, %select_n3A : i32
    %ne3A = arith.constant 0 : i32
    %ne3A_4 = arith.cmpi ne, %rem3A, %ne3A : i32
    %lt3A = arith.constant 0 : i32
    %lt3A_5 = arith.cmpi slt, %rem3A, %lt3A : i32
    %lt3A_6 = arith.constant 0 : i32
    %lt3A_7 = arith.cmpi slt, %select_n3A, %lt3A_6 : i32
    %ne3A_8 = arith.xori %lt3A_5, %lt3A_7 : i1
    %and3A = arith.andi %ne3A_8, %ne3A_4 : i1
    %add3A_9 = arith.addi %rem3A, %select_n3A : i32
    %select_n3A_10 = arith.select %and3A, %add3A_9, %rem3A : i32
    %c0_i32 = arith.constant 0 : i32
    %c0_i32_11 = arith.constant 0 : i32
    %c0_i32_12 = arith.constant 0 : i32
    return %arg0, %select_n3A_10, %c0_i32, %c0_i32_11 : i32, i32, i32, i32
  }
  func.func @transform_3(%arg0: i32, %arg1: i32) -> (i32, i32) {
    %c0_i32 = arith.constant 0 : i32
    %c0_i32_0 = arith.constant 0 : i32
    %c0_i32_1 = arith.constant 0 : i32
    return %c0_i32, %c0_i32_0 : i32, i32
  }
  func.func @transform_4(%arg0: i32, %arg1: i32) -> (i32, i32) {
    %c0_i32 = arith.constant 0 : i32
    %c0_i32_0 = arith.constant 0 : i32
    %c0_i32_1 = arith.constant 0 : i32
    return %c0_i32, %c0_i32_0 : i32, i32
  }
  func.func @transform_5(%arg0: i32, %arg1: i32) -> (i32, i32) {
    %c0_i32 = arith.constant 0 : i32
    %c0_i32_0 = arith.constant 0 : i32
    %c0_i32_1 = arith.constant 0 : i32
    return %c0_i32, %c0_i32_0 : i32, i32
  }
}

module attributes {stable_mosaic.version = 14 : i64} {
  func.func @_embed_body(%arg0: i32, %arg1: i32, %arg2: memref<1x2048x64xf32, #tpu.memory_space<vmem>>, %arg3: memref<1x1x8x64xf32, #tpu.memory_space<vmem>>, %arg4: memref<1x1x8x64xf32, #tpu.memory_space<vmem>>, %arg5: memref<192x16xf32, #tpu.memory_space<vmem>>, %arg6: memref<64x64xf32, #tpu.memory_space<vmem>>, %arg7: memref<16x256xf32, #tpu.memory_space<vmem>>, %arg8: memref<8x16xf32, #tpu.memory_space<vmem>>, %arg9: memref<8x64xf32, #tpu.memory_space<vmem>>, %arg10: memref<1x2048x128xf32, #tpu.memory_space<vmem>>, %arg11: memref<1x2048x1xi32, #tpu.memory_space<vmem>>, %arg12: memref<1x2048x1xi32, #tpu.memory_space<vmem>>, %arg13: memref<1x2048x1xi32, #tpu.memory_space<vmem>>, %arg14: memref<1x2048x1xi32, #tpu.memory_space<vmem>>) attributes {dimension_semantics = [#tpu.dimension_semantics<arbitrary>, #tpu.dimension_semantics<arbitrary>], iteration_bounds = array<i64: 4, 4>, scalar_prefetch = 0 : i64, scratch_operands = 0 : i64, tpu.core_type = #tpu.core_type<tc>, window_params = [{transform_indices = @transform_0, window_bounds = array<i64: 1, 2048, 64>}, {transform_indices = @transform_1, window_bounds = array<i64: 1, 1, 8, 64>}, {transform_indices = @transform_2, window_bounds = array<i64: 1, 1, 8, 64>}, {pipeline_mode = #tpu.pipeline_mode<synchronous>, transform_indices = @transform_3, window_bounds = array<i64: 192, 16>}, {pipeline_mode = #tpu.pipeline_mode<synchronous>, transform_indices = @transform_4, window_bounds = array<i64: 64, 64>}, {pipeline_mode = #tpu.pipeline_mode<synchronous>, transform_indices = @transform_5, window_bounds = array<i64: 16, 256>}, {pipeline_mode = #tpu.pipeline_mode<synchronous>, transform_indices = @transform_6, window_bounds = array<i64: 8, 16>}, {pipeline_mode = #tpu.pipeline_mode<synchronous>, transform_indices = @transform_7, window_bounds = array<i64: 8, 64>}, {transform_indices = @transform_8, window_bounds = array<i64: 1, 2048, 128>}, {transform_indices = @transform_9, window_bounds = array<i64: 1, 2048, 1>}, {transform_indices = @transform_10, window_bounds = array<i64: 1, 2048, 1>}, {transform_indices = @transform_11, window_bounds = array<i64: 1, 2048, 1>}, {transform_indices = @transform_12, window_bounds = array<i64: 1, 2048, 1>}]} {
    %get3A = arith.constant 0 : index
    %get3A_0 = arith.constant 0 : index
    %get3A_1 = arith.constant 0 : index
    %get3A_2 = vector.load %arg2[%get3A, %get3A_0, %get3A_1] : memref<1x2048x64xf32, #tpu.memory_space<vmem>>, vector<1x2048x64xf32>
    %get3A_3 = vector.shape_cast %get3A_2 : vector<1x2048x64xf32> to vector<2048x64xf32>
    %iota3A = tpu.iota {dimensions = array<i32: 0>} : vector<2048x1xi32>
    %get3A_4 = arith.constant 0 : index
    %get3A_5 = arith.constant 0 : index
    %get3A_6 = arith.constant 7 : index
    %get3A_7 = arith.constant 0 : index
    %get3A_8 = vector.load %arg3[%get3A_4, %get3A_5, %get3A_6, %get3A_7] : memref<1x1x8x64xf32, #tpu.memory_space<vmem>>, vector<1x1x1x64xf32>
    %get3A_9 = vector.shape_cast %get3A_8 : vector<1x1x1x64xf32> to vector<1x64xf32>
    %eq3A = arith.constant 0 : i32
    %eq3A_10 = arith.cmpi eq, %arg1, %eq3A : i32
    %jit3A = arith.constant 0.000000e+00 : f32
    %jit3A_11 = arith.constant 1.000000e+00 : f32
    %select_n3A = arith.select %eq3A_10, %jit3A, %jit3A_11 : f32
    %mul3A = vector.broadcast %select_n3A : f32 to vector<1x64xf32>
    %mul3A_12 = arith.mulf %get3A_9, %mul3A : vector<1x64xf32>
    %get3A_13 = arith.constant 0 : index
    %get3A_14 = arith.constant 0 : index
    %get3A_15 = arith.constant 0 : index
    %get3A_16 = arith.constant 0 : index
    %get3A_17 = vector.load %arg4[%get3A_13, %get3A_14, %get3A_15, %get3A_16] : memref<1x1x8x64xf32, #tpu.memory_space<vmem>>, vector<1x1x1x64xf32>
    %get3A_18 = vector.shape_cast %get3A_17 : vector<1x1x1x64xf32> to vector<1x64xf32>
    %eq3A_19 = arith.constant 3 : i32
    %eq3A_20 = arith.cmpi eq, %arg1, %eq3A_19 : i32
    %jit3A_21 = arith.constant 0.000000e+00 : f32
    %jit3A_22 = arith.constant 1.000000e+00 : f32
    %select_n3A_23 = arith.select %eq3A_20, %jit3A_21, %jit3A_22 : f32
    %mul3A_24 = vector.broadcast %select_n3A_23 : f32 to vector<1x64xf32>
    %mul3A_25 = arith.mulf %get3A_18, %mul3A_24 : vector<1x64xf32>
    %eq3A_26 = arith.constant 0 : i32
    %eq3A_27 = vector.broadcast %eq3A_26 : i32 to vector<2048x1xi32>
    %eq3A_28 = arith.cmpi eq, %iota3A, %eq3A_27 : vector<2048x1xi32>
    %roll3A = arith.constant 1 : i32
    %roll3A_29 = tpu.dynamic_rotate %get3A_3 by %roll3A dim 0 : vector<2048x64xf32>, i32 -> vector<2048x64xf32>
    %broadcast_in_dim3A = vector.shape_cast %eq3A_28 : vector<2048x1xi1> to vector<2048x1xi1>
    %broadcast_in_dim3A_30 = vector.broadcast %broadcast_in_dim3A : vector<2048x1xi1> to vector<2048x64xi1>
    %broadcast_in_dim3A_31 = vector.shape_cast %mul3A_12 : vector<1x64xf32> to vector<1x64xf32>
    %broadcast_in_dim3A_32 = vector.broadcast %broadcast_in_dim3A_31 : vector<1x64xf32> to vector<2048x64xf32>
    %select_n3A_33 = arith.select %broadcast_in_dim3A_30, %broadcast_in_dim3A_32, %roll3A_29 : vector<2048x64xi1>, vector<2048x64xf32>
    %eq3A_34 = arith.constant 2047 : i32
    %eq3A_35 = vector.broadcast %eq3A_34 : i32 to vector<2048x1xi32>
    %eq3A_36 = arith.cmpi eq, %iota3A, %eq3A_35 : vector<2048x1xi32>
    %roll3A_37 = arith.constant 2047 : i32
    %roll3A_38 = tpu.dynamic_rotate %get3A_3 by %roll3A_37 dim 0 : vector<2048x64xf32>, i32 -> vector<2048x64xf32>
    %broadcast_in_dim3A_39 = vector.shape_cast %eq3A_36 : vector<2048x1xi1> to vector<2048x1xi1>
    %broadcast_in_dim3A_40 = vector.broadcast %broadcast_in_dim3A_39 : vector<2048x1xi1> to vector<2048x64xi1>
    %broadcast_in_dim3A_41 = vector.shape_cast %mul3A_25 : vector<1x64xf32> to vector<1x64xf32>
    %broadcast_in_dim3A_42 = vector.broadcast %broadcast_in_dim3A_41 : vector<1x64xf32> to vector<2048x64xf32>
    %select_n3A_43 = arith.select %broadcast_in_dim3A_40, %broadcast_in_dim3A_42, %roll3A_38 : vector<2048x64xi1>, vector<2048x64xf32>
    %concatenate3A = tpu.concatenate %select_n3A_33, %get3A_3, %select_n3A_43 in 1 : vector<2048x64xf32>, vector<2048x64xf32>, vector<2048x64xf32> -> vector<2048x192xf32>
    %get3A_44 = arith.constant 0 : index
    %get3A_45 = arith.constant 0 : index
    %get3A_46 = vector.load %arg5[%get3A_44, %get3A_45] : memref<192x16xf32, #tpu.memory_space<vmem>>, vector<192x16xf32>
    %dot_general3A = arith.constant dense<0.000000e+00> : vector<2048x16xf32>
    %dot_general3A_47 = tpu.matmul %concatenate3A, %get3A_46, %dot_general3A {dimension_numbers = #tpu.dot_dimension_numbers<[1], [0], [0], [1], [0, 0, 1, 1], [], []>, transpose_lhs_hint = false} : vector<2048x192xf32>, vector<192x16xf32>, vector<2048x16xf32> -> vector<2048x16xf32>
    %get3A_48 = arith.constant 0 : index
    %get3A_49 = arith.constant 0 : index
    %get3A_50 = vector.load %arg6[%get3A_48, %get3A_49] : memref<64x64xf32, #tpu.memory_space<vmem>>, vector<64x64xf32>
    %dot_general3A_51 = arith.constant dense<0.000000e+00> : vector<2048x64xf32>
    %dot_general3A_52 = tpu.matmul %get3A_3, %get3A_50, %dot_general3A_51 {dimension_numbers = #tpu.dot_dimension_numbers<[1], [0], [0], [1], [0, 0, 1, 1], [], []>, transpose_lhs_hint = false} : vector<2048x64xf32>, vector<64x64xf32>, vector<2048x64xf32> -> vector<2048x64xf32>
    %get3A_53 = arith.constant 0 : index
    %get3A_54 = arith.constant 0 : index
    %get3A_55 = vector.load %arg8[%get3A_53, %get3A_54] : memref<8x16xf32, #tpu.memory_space<vmem>>, vector<1x16xf32>
    %get3A_56 = arith.constant 1 : index
    %get3A_57 = arith.constant 0 : index
    %get3A_58 = vector.load %arg8[%get3A_56, %get3A_57] : memref<8x16xf32, #tpu.memory_space<vmem>>, vector<1x16xf32>
    %get3A_59 = arith.constant 0 : index
    %get3A_60 = arith.constant 0 : index
    %get3A_61 = vector.load %arg9[%get3A_59, %get3A_60] : memref<8x64xf32, #tpu.memory_space<vmem>>, vector<1x64xf32>
    %get3A_62 = arith.constant 1 : index
    %get3A_63 = arith.constant 0 : index
    %get3A_64 = vector.load %arg9[%get3A_62, %get3A_63] : memref<8x64xf32, #tpu.memory_space<vmem>>, vector<1x64xf32>
    %mul3A_65 = vector.broadcast %get3A_55 : vector<1x16xf32> to vector<2048x16xf32>
    %mul3A_66 = arith.mulf %dot_general3A_47, %mul3A_65 : vector<2048x16xf32>
    %add3A = vector.broadcast %get3A_58 : vector<1x16xf32> to vector<2048x16xf32>
    %add3A_67 = arith.addf %mul3A_66, %add3A : vector<2048x16xf32>
    %max3A = arith.constant 0.000000e+00 : f32
    %max3A_68 = vector.broadcast %max3A : f32 to vector<2048x16xf32>
    %max3A_69 = arith.maximumf %add3A_67, %max3A_68 : vector<2048x16xf32>
    %mul3A_70 = vector.broadcast %get3A_61 : vector<1x64xf32> to vector<2048x64xf32>
    %mul3A_71 = arith.mulf %dot_general3A_52, %mul3A_70 : vector<2048x64xf32>
    %add3A_72 = vector.broadcast %get3A_64 : vector<1x64xf32> to vector<2048x64xf32>
    %add3A_73 = arith.addf %mul3A_71, %add3A_72 : vector<2048x64xf32>
    %max3A_74 = arith.constant 0.000000e+00 : f32
    %max3A_75 = vector.broadcast %max3A_74 : f32 to vector<2048x64xf32>
    %max3A_76 = arith.maximumf %add3A_73, %max3A_75 : vector<2048x64xf32>
    %broadcast_in_dim3A_77 = arith.constant 0.000000e+00 : f32
    %broadcast_in_dim3A_78 = vector.broadcast %broadcast_in_dim3A_77 : f32 to vector<2048x48xf32>
    %concatenate3A_79 = tpu.concatenate %max3A_76, %max3A_69, %broadcast_in_dim3A_78 in 1 : vector<2048x64xf32>, vector<2048x16xf32>, vector<2048x48xf32> -> vector<2048x128xf32>
    %swap3A = arith.constant 0 : index
    %swap3A_80 = arith.constant 0 : index
    %swap3A_81 = arith.constant 0 : index
    %swap3A_82 = vector.load %arg10[%swap3A, %swap3A_80, %swap3A_81] : memref<1x2048x128xf32, #tpu.memory_space<vmem>>, vector<1x2048x128xf32>
    %swap3A_83 = vector.shape_cast %swap3A_82 : vector<1x2048x128xf32> to vector<2048x128xf32>
    %swap3A_84 = vector.shape_cast %concatenate3A_79 : vector<2048x128xf32> to vector<1x2048x128xf32>
    tpu.vector_store %arg10[%swap3A, %swap3A_80, %swap3A_81], %swap3A_84 {strides = array<i32>} : memref<1x2048x128xf32, #tpu.memory_space<vmem>>, vector<1x2048x128xf32>,
    %get3A_85 = arith.constant 0 : index
    %get3A_86 = arith.constant 0 : index
    %get3A_87 = vector.load %arg7[%get3A_85, %get3A_86] : memref<16x256xf32, #tpu.memory_space<vmem>>, vector<16x256xf32>
    %dot_general3A_88 = arith.constant dense<0.000000e+00> : vector<2048x256xf32>
    %dot_general3A_89 = tpu.matmul %max3A_69, %get3A_87, %dot_general3A_88 {dimension_numbers = #tpu.dot_dimension_numbers<[1], [0], [0], [1], [0, 0, 1, 1], [], []>, transpose_lhs_hint = false} : vector<2048x16xf32>, vector<16x256xf32>, vector<2048x256xf32> -> vector<2048x256xf32>
    %iota3A_90 = tpu.iota {dimensions = array<i32: 1>} : vector<2048x128xi32>
    %slice3A = vector.extract_strided_slice %dot_general3A_89 {offsets = [0, 0], sizes = [2048, 64], strides = [1, 1]} : vector<2048x256xf32> to vector<2048x64xf32>
    %neg3A = arith.constant 0.000000e+00 : f32
    %neg3A_91 = vector.broadcast %neg3A : f32 to vector<2048x64xf32>
    %neg3A_92 = arith.subf %neg3A_91, %slice3A : vector<2048x64xf32>
    %concatenate3A_93 = tpu.concatenate %slice3A, %neg3A_92 in 1 : vector<2048x64xf32>, vector<2048x64xf32> -> vector<2048x128xf32>
    %reduce_max3A = arith.constant dense<0xFF800000> : vector<2048xf32>
    %reduce_max3A_94 = vector.multi_reduction <maximumf>, %concatenate3A_93, %reduce_max3A [1] : vector<2048x128xf32> to vector<2048xf32>
    %broadcast_in_dim3A_95 = vector.shape_cast %reduce_max3A_94 : vector<2048xf32> to vector<2048x1xf32>
    %eq3A_96 = vector.broadcast %broadcast_in_dim3A_95 : vector<2048x1xf32> to vector<2048x128xf32>
    %eq3A_97 = arith.cmpf oeq, %concatenate3A_93, %eq3A_96 : vector<2048x128xf32>
    %jit3A_98 = arith.constant 129 : i32
    %broadcast_in_dim3A_99 = vector.broadcast %jit3A_98 : i32 to vector<2048x128xi32>
    %select_n3A_100 = arith.select %eq3A_97, %iota3A_90, %broadcast_in_dim3A_99 : vector<2048x128xi1>, vector<2048x128xi32>
    %reduce_min3A = arith.constant dense<2147483647> : vector<2048xi32>
    %reduce_min3A_101 = vector.multi_reduction <minsi>, %select_n3A_100, %reduce_min3A [1] : vector<2048x128xi32> to vector<2048xi32>
    %broadcast_in_dim3A_102 = vector.shape_cast %reduce_min3A_101 : vector<2048xi32> to vector<2048x1xi32>
    %add3A_103 = arith.constant 0 : i32
    %add3A_104 = vector.broadcast %add3A_103 : i32 to vector<2048x1xi32>
    %add3A_105 = arith.addi %broadcast_in_dim3A_102, %add3A_104 : vector<2048x1xi32>
    %swap3A_106 = arith.constant 0 : index
    %swap3A_107 = arith.constant 0 : index
    %swap3A_108 = arith.constant 0 : index
    %swap3A_109 = vector.load %arg11[%swap3A_106, %swap3A_107, %swap3A_108] : memref<1x2048x1xi32, #tpu.memory_space<vmem>>, vector<1x2048x1xi32>
    %swap3A_110 = vector.shape_cast %swap3A_109 : vector<1x2048x1xi32> to vector<2048x1xi32>
    %swap3A_111 = vector.shape_cast %add3A_105 : vector<2048x1xi32> to vector<1x2048x1xi32>
    tpu.vector_store %arg11[%swap3A_106, %swap3A_107, %swap3A_108], %swap3A_111 {strides = array<i32>} : memref<1x2048x1xi32, #tpu.memory_space<vmem>>, vector<1x2048x1xi32>,
    %slice3A_112 = vector.extract_strided_slice %dot_general3A_89 {offsets = [0, 64], sizes = [2048, 64], strides = [1, 1]} : vector<2048x256xf32> to vector<2048x64xf32>
    %neg3A_113 = arith.constant 0.000000e+00 : f32
    %neg3A_114 = vector.broadcast %neg3A_113 : f32 to vector<2048x64xf32>
    %neg3A_115 = arith.subf %neg3A_114, %slice3A_112 : vector<2048x64xf32>
    %concatenate3A_116 = tpu.concatenate %slice3A_112, %neg3A_115 in 1 : vector<2048x64xf32>, vector<2048x64xf32> -> vector<2048x128xf32>
    %reduce_max3A_117 = arith.constant dense<0xFF800000> : vector<2048xf32>
    %reduce_max3A_118 = vector.multi_reduction <maximumf>, %concatenate3A_116, %reduce_max3A_117 [1] : vector<2048x128xf32> to vector<2048xf32>
    %broadcast_in_dim3A_119 = vector.shape_cast %reduce_max3A_118 : vector<2048xf32> to vector<2048x1xf32>
    %eq3A_120 = vector.broadcast %broadcast_in_dim3A_119 : vector<2048x1xf32> to vector<2048x128xf32>
    %eq3A_121 = arith.cmpf oeq, %concatenate3A_116, %eq3A_120 : vector<2048x128xf32>
    %jit3A_122 = arith.constant 129 : i32
    %broadcast_in_dim3A_123 = vector.broadcast %jit3A_122 : i32 to vector<2048x128xi32>
    %select_n3A_124 = arith.select %eq3A_121, %iota3A_90, %broadcast_in_dim3A_123 : vector<2048x128xi1>, vector<2048x128xi32>
    %reduce_min3A_125 = arith.constant dense<2147483647> : vector<2048xi32>
    %reduce_min3A_126 = vector.multi_reduction <minsi>, %select_n3A_124, %reduce_min3A_125 [1] : vector<2048x128xi32> to vector<2048xi32>
    %broadcast_in_dim3A_127 = vector.shape_cast %reduce_min3A_126 : vector<2048xi32> to vector<2048x1xi32>
    %add3A_128 = arith.constant 1 : i32
    %add3A_129 = vector.broadcast %add3A_128 : i32 to vector<2048x1xi32>
    %add3A_130 = arith.addi %broadcast_in_dim3A_127, %add3A_129 : vector<2048x1xi32>
    %swap3A_131 = arith.constant 0 : index
    %swap3A_132 = arith.constant 0 : index
    %swap3A_133 = arith.constant 0 : index
    %swap3A_134 = vector.load %arg12[%swap3A_131, %swap3A_132, %swap3A_133] : memref<1x2048x1xi32, #tpu.memory_space<vmem>>, vector<1x2048x1xi32>
    %swap3A_135 = vector.shape_cast %swap3A_134 : vector<1x2048x1xi32> to vector<2048x1xi32>
    %swap3A_136 = vector.shape_cast %add3A_130 : vector<2048x1xi32> to vector<1x2048x1xi32>
    tpu.vector_store %arg12[%swap3A_131, %swap3A_132, %swap3A_133], %swap3A_136 {strides = array<i32>} : memref<1x2048x1xi32, #tpu.memory_space<vmem>>, vector<1x2048x1xi32>,
    %slice3A_137 = vector.extract_strided_slice %dot_general3A_89 {offsets = [0, 128], sizes = [2048, 64], strides = [1, 1]} : vector<2048x256xf32> to vector<2048x64xf32>
    %neg3A_138 = arith.constant 0.000000e+00 : f32
    %neg3A_139 = vector.broadcast %neg3A_138 : f32 to vector<2048x64xf32>
    %neg3A_140 = arith.subf %neg3A_139, %slice3A_137 : vector<2048x64xf32>
    %concatenate3A_141 = tpu.concatenate %slice3A_137, %neg3A_140 in 1 : vector<2048x64xf32>, vector<2048x64xf32> -> vector<2048x128xf32>
    %reduce_max3A_142 = arith.constant dense<0xFF800000> : vector<2048xf32>
    %reduce_max3A_143 = vector.multi_reduction <maximumf>, %concatenate3A_141, %reduce_max3A_142 [1] : vector<2048x128xf32> to vector<2048xf32>
    %broadcast_in_dim3A_144 = vector.shape_cast %reduce_max3A_143 : vector<2048xf32> to vector<2048x1xf32>
    %eq3A_145 = vector.broadcast %broadcast_in_dim3A_144 : vector<2048x1xf32> to vector<2048x128xf32>
    %eq3A_146 = arith.cmpf oeq, %concatenate3A_141, %eq3A_145 : vector<2048x128xf32>
    %jit3A_147 = arith.constant 129 : i32
    %broadcast_in_dim3A_148 = vector.broadcast %jit3A_147 : i32 to vector<2048x128xi32>
    %select_n3A_149 = arith.select %eq3A_146, %iota3A_90, %broadcast_in_dim3A_148 : vector<2048x128xi1>, vector<2048x128xi32>
    %reduce_min3A_150 = arith.constant dense<2147483647> : vector<2048xi32>
    %reduce_min3A_151 = vector.multi_reduction <minsi>, %select_n3A_149, %reduce_min3A_150 [1] : vector<2048x128xi32> to vector<2048xi32>
    %broadcast_in_dim3A_152 = vector.shape_cast %reduce_min3A_151 : vector<2048xi32> to vector<2048x1xi32>
    %add3A_153 = arith.constant 2 : i32
    %add3A_154 = vector.broadcast %add3A_153 : i32 to vector<2048x1xi32>
    %add3A_155 = arith.addi %broadcast_in_dim3A_152, %add3A_154 : vector<2048x1xi32>
    %swap3A_156 = arith.constant 0 : index
    %swap3A_157 = arith.constant 0 : index
    %swap3A_158 = arith.constant 0 : index
    %swap3A_159 = vector.load %arg13[%swap3A_156, %swap3A_157, %swap3A_158] : memref<1x2048x1xi32, #tpu.memory_space<vmem>>, vector<1x2048x1xi32>
    %swap3A_160 = vector.shape_cast %swap3A_159 : vector<1x2048x1xi32> to vector<2048x1xi32>
    %swap3A_161 = vector.shape_cast %add3A_155 : vector<2048x1xi32> to vector<1x2048x1xi32>
    tpu.vector_store %arg13[%swap3A_156, %swap3A_157, %swap3A_158], %swap3A_161 {strides = array<i32>} : memref<1x2048x1xi32, #tpu.memory_space<vmem>>, vector<1x2048x1xi32>,
    %slice3A_162 = vector.extract_strided_slice %dot_general3A_89 {offsets = [0, 192], sizes = [2048, 64], strides = [1, 1]} : vector<2048x256xf32> to vector<2048x64xf32>
    %neg3A_163 = arith.constant 0.000000e+00 : f32
    %neg3A_164 = vector.broadcast %neg3A_163 : f32 to vector<2048x64xf32>
    %neg3A_165 = arith.subf %neg3A_164, %slice3A_162 : vector<2048x64xf32>
    %concatenate3A_166 = tpu.concatenate %slice3A_162, %neg3A_165 in 1 : vector<2048x64xf32>, vector<2048x64xf32> -> vector<2048x128xf32>
    %reduce_max3A_167 = arith.constant dense<0xFF800000> : vector<2048xf32>
    %reduce_max3A_168 = vector.multi_reduction <maximumf>, %concatenate3A_166, %reduce_max3A_167 [1] : vector<2048x128xf32> to vector<2048xf32>
    %broadcast_in_dim3A_169 = vector.shape_cast %reduce_max3A_168 : vector<2048xf32> to vector<2048x1xf32>
    %eq3A_170 = vector.broadcast %broadcast_in_dim3A_169 : vector<2048x1xf32> to vector<2048x128xf32>
    %eq3A_171 = arith.cmpf oeq, %concatenate3A_166, %eq3A_170 : vector<2048x128xf32>
    %jit3A_172 = arith.constant 129 : i32
    %broadcast_in_dim3A_173 = vector.broadcast %jit3A_172 : i32 to vector<2048x128xi32>
    %select_n3A_174 = arith.select %eq3A_171, %iota3A_90, %broadcast_in_dim3A_173 : vector<2048x128xi1>, vector<2048x128xi32>
    %reduce_min3A_175 = arith.constant dense<2147483647> : vector<2048xi32>
    %reduce_min3A_176 = vector.multi_reduction <minsi>, %select_n3A_174, %reduce_min3A_175 [1] : vector<2048x128xi32> to vector<2048xi32>
    %broadcast_in_dim3A_177 = vector.shape_cast %reduce_min3A_176 : vector<2048xi32> to vector<2048x1xi32>
    %add3A_178 = arith.constant 3 : i32
    %add3A_179 = vector.broadcast %add3A_178 : i32 to vector<2048x1xi32>
    %add3A_180 = arith.addi %broadcast_in_dim3A_177, %add3A_179 : vector<2048x1xi32>
    %swap3A_181 = arith.constant 0 : index
    %swap3A_182 = arith.constant 0 : index
    %swap3A_183 = arith.constant 0 : index
    %swap3A_184 = vector.load %arg14[%swap3A_181, %swap3A_182, %swap3A_183] : memref<1x2048x1xi32, #tpu.memory_space<vmem>>, vector<1x2048x1xi32>
    %swap3A_185 = vector.shape_cast %swap3A_184 : vector<1x2048x1xi32> to vector<2048x1xi32>
    %swap3A_186 = vector.shape_cast %add3A_180 : vector<2048x1xi32> to vector<1x2048x1xi32>
    tpu.vector_store %arg14[%swap3A_181, %swap3A_182, %swap3A_183], %swap3A_186 {strides = array<i32>} : memref<1x2048x1xi32, #tpu.memory_space<vmem>>, vector<1x2048x1xi32>,
    return
  }
  func.func @transform_0(%arg0: i32, %arg1: i32) -> (i32, i32, i32) {
    %c0_i32 = arith.constant 0 : i32
    %c0_i32_0 = arith.constant 0 : i32
    return %arg0, %arg1, %c0_i32 : i32, i32, i32
  }
  func.func @transform_1(%arg0: i32, %arg1: i32) -> (i32, i32, i32, i32) {
    %mul3A = arith.constant 256 : i32
    %mul3A_0 = arith.muli %arg1, %mul3A : i32
    %sub3A = arith.constant 1 : i32
    %sub3A_1 = arith.subi %mul3A_0, %sub3A : i32
    %jit3A = arith.constant 1024 : i32
    %eq3A = arith.constant 0 : i32
    %eq3A_2 = arith.cmpi eq, %jit3A, %eq3A : i32
    %jit3A_3 = arith.constant 1 : i32
    %select_n3A = arith.select %eq3A_2, %jit3A_3, %jit3A : i32
    %rem3A = arith.remsi %sub3A_1, %select_n3A : i32
    %ne3A = arith.constant 0 : i32
    %ne3A_4 = arith.cmpi ne, %rem3A, %ne3A : i32
    %lt3A = arith.constant 0 : i32
    %lt3A_5 = arith.cmpi slt, %rem3A, %lt3A : i32
    %lt3A_6 = arith.constant 0 : i32
    %lt3A_7 = arith.cmpi slt, %select_n3A, %lt3A_6 : i32
    %ne3A_8 = arith.xori %lt3A_5, %lt3A_7 : i1
    %and3A = arith.andi %ne3A_8, %ne3A_4 : i1
    %add3A = arith.addi %rem3A, %select_n3A : i32
    %select_n3A_9 = arith.select %and3A, %add3A, %rem3A : i32
    %c0_i32 = arith.constant 0 : i32
    %c0_i32_10 = arith.constant 0 : i32
    %c0_i32_11 = arith.constant 0 : i32
    return %arg0, %select_n3A_9, %c0_i32, %c0_i32_10 : i32, i32, i32, i32
  }
  func.func @transform_2(%arg0: i32, %arg1: i32) -> (i32, i32, i32, i32) {
    %mul3A = arith.constant 256 : i32
    %mul3A_0 = arith.muli %arg1, %mul3A : i32
    %add3A = arith.constant 256 : i32
    %add3A_1 = arith.addi %mul3A_0, %add3A : i32
    %jit3A = arith.constant 1024 : i32
    %eq3A = arith.constant 0 : i32
    %eq3A_2 = arith.cmpi eq, %jit3A, %eq3A : i32
    %jit3A_3 = arith.constant 1 : i32
    %select_n3A = arith.select %eq3A_2, %jit3A_3, %jit3A : i32
    %rem3A = arith.remsi %add3A_1, %select_n3A : i32
    %ne3A = arith.constant 0 : i32
    %ne3A_4 = arith.cmpi ne, %rem3A, %ne3A : i32
    %lt3A = arith.constant 0 : i32
    %lt3A_5 = arith.cmpi slt, %rem3A, %lt3A : i32
    %lt3A_6 = arith.constant 0 : i32
    %lt3A_7 = arith.cmpi slt, %select_n3A, %lt3A_6 : i32
    %ne3A_8 = arith.xori %lt3A_5, %lt3A_7 : i1
    %and3A = arith.andi %ne3A_8, %ne3A_4 : i1
    %add3A_9 = arith.addi %rem3A, %select_n3A : i32
    %select_n3A_10 = arith.select %and3A, %add3A_9, %rem3A : i32
    %c0_i32 = arith.constant 0 : i32
    %c0_i32_11 = arith.constant 0 : i32
    %c0_i32_12 = arith.constant 0 : i32
    return %arg0, %select_n3A_10, %c0_i32, %c0_i32_11 : i32, i32, i32, i32
  }
  func.func @transform_3(%arg0: i32, %arg1: i32) -> (i32, i32) {
    %c0_i32 = arith.constant 0 : i32
    %c0_i32_0 = arith.constant 0 : i32
    %c0_i32_1 = arith.constant 0 : i32
    return %c0_i32, %c0_i32_0 : i32, i32
  }
  func.func @transform_4(%arg0: i32, %arg1: i32) -> (i32, i32) {
    %c0_i32 = arith.constant 0 : i32
    %c0_i32_0 = arith.constant 0 : i32
    %c0_i32_1 = arith.constant 0 : i32
    return %c0_i32, %c0_i32_0 : i32, i32
  }
  func.func @transform_5(%arg0: i32, %arg1: i32) -> (i32, i32) {
    %c0_i32 = arith.constant 0 : i32
    %c0_i32_0 = arith.constant 0 : i32
    %c0_i32_1 = arith.constant 0 : i32
    return %c0_i32, %c0_i32_0 : i32, i32
  }
  func.func @transform_6(%arg0: i32, %arg1: i32) -> (i32, i32) {
    %c0_i32 = arith.constant 0 : i32
    %c0_i32_0 = arith.constant 0 : i32
    %c0_i32_1 = arith.constant 0 : i32
    return %c0_i32, %c0_i32_0 : i32, i32
  }
  func.func @transform_7(%arg0: i32, %arg1: i32) -> (i32, i32) {
    %c0_i32 = arith.constant 0 : i32
    %c0_i32_0 = arith.constant 0 : i32
    %c0_i32_1 = arith.constant 0 : i32
    return %c0_i32, %c0_i32_0 : i32, i32
  }
  func.func @transform_8(%arg0: i32, %arg1: i32) -> (i32, i32, i32) {
    %c0_i32 = arith.constant 0 : i32
    %c0_i32_0 = arith.constant 0 : i32
    return %arg0, %arg1, %c0_i32 : i32, i32, i32
  }
  func.func @transform_9(%arg0: i32, %arg1: i32) -> (i32, i32, i32) {
    %c0_i32 = arith.constant 0 : i32
    %c0_i32_0 = arith.constant 0 : i32
    return %arg0, %arg1, %c0_i32 : i32, i32, i32
  }
  func.func @transform_10(%arg0: i32, %arg1: i32) -> (i32, i32, i32) {
    %c0_i32 = arith.constant 0 : i32
    %c0_i32_0 = arith.constant 0 : i32
    return %arg0, %arg1, %c0_i32 : i32, i32, i32
  }
  func.func @transform_11(%arg0: i32, %arg1: i32) -> (i32, i32, i32) {
    %c0_i32 = arith.constant 0 : i32
    %c0_i32_0 = arith.constant 0 : i32
    return %arg0, %arg1, %c0_i32 : i32, i32, i32
  }
  func.func @transform_12(%arg0: i32, %arg1: i32) -> (i32, i32, i32) {
    %c0_i32 = arith.constant 0 : i32
    %c0_i32_0 = arith.constant 0 : i32
    return %arg0, %arg1, %c0_i32 : i32, i32, i32
  }
}

module attributes {stable_mosaic.version = 14 : i64} {
  func.func @_rank_body(%arg0: i32, %arg1: i32, %arg2: memref<1x1x8x256xi32, #tpu.memory_space<vmem>>, %arg3: memref<1x1x8x256xf32, #tpu.memory_space<vmem>>, %arg4: memref<1x1x136x1xf32, #tpu.memory_space<vmem>>) attributes {dimension_semantics = [#tpu.dimension_semantics<arbitrary>, #tpu.dimension_semantics<arbitrary>], iteration_bounds = array<i64: 4, 16>, scalar_prefetch = 0 : i64, scratch_operands = 0 : i64, tpu.core_type = #tpu.core_type<tc>, window_params = [{transform_indices = @transform_0, window_bounds = array<i64: 1, 1, 8, 256>}, {transform_indices = @transform_1, window_bounds = array<i64: 1, 1, 8, 256>}, {transform_indices = @transform_2, window_bounds = array<i64: 1, 1, 136, 1>}]} {
    %get3A = arith.constant 0 : index
    %get3A_0 = arith.constant 0 : index
    %get3A_1 = arith.constant 0 : index
    %get3A_2 = arith.constant 0 : index
    %get3A_3 = vector.load %arg2[%get3A, %get3A_0, %get3A_1, %get3A_2] : memref<1x1x8x256xi32, #tpu.memory_space<vmem>>, vector<1x1x8x256xi32>
    %get3A_4 = vector.shape_cast %get3A_3 : vector<1x1x8x256xi32> to vector<8x256xi32>
    %iota3A = tpu.iota {dimensions = array<i32: 0>} : vector<256x256xi32>
    %iota3A_5 = tpu.iota {dimensions = array<i32: 1>} : vector<256x256xi32>
    %lt3A = arith.cmpi slt, %iota3A, %iota3A_5 : vector<256x256xi32>
    %convert_element_type3A = arith.extui %lt3A : vector<256x256xi1> to vector<256x256xi32>
    %convert_element_type3A_6 = arith.sitofp %convert_element_type3A : vector<256x256xi32> to vector<256x256xf32>
    %iota3A_7 = tpu.iota {dimensions = array<i32: 0>} : vector<136x256xi32>
    %broadcast_in_dim3A = arith.constant 0.000000e+00 : f32
    %broadcast_in_dim3A_8 = vector.broadcast %broadcast_in_dim3A : f32 to vector<136x1xf32>
    %slice3A = vector.extract_strided_slice %get3A_4 {offsets = [0, 0], sizes = [1, 256], strides = [1, 1]} : vector<8x256xi32> to vector<1x256xi32>
    %eq3A = vector.broadcast %slice3A : vector<1x256xi32> to vector<136x256xi32>
    %eq3A_9 = arith.cmpi eq, %iota3A_7, %eq3A : vector<136x256xi32>
    %convert_element_type3A_10 = arith.extui %eq3A_9 : vector<136x256xi1> to vector<136x256xi32>
    %convert_element_type3A_11 = arith.sitofp %convert_element_type3A_10 : vector<136x256xi32> to vector<136x256xf32>
    %dot_general3A = arith.constant dense<0.000000e+00> : vector<136x256xf32>
    %dot_general3A_12 = tpu.matmul %convert_element_type3A_11, %convert_element_type3A_6, %dot_general3A {dimension_numbers = #tpu.dot_dimension_numbers<[1], [0], [0], [1], [0, 0, 1, 1], [], []>, transpose_lhs_hint = false} : vector<136x256xf32>, vector<256x256xf32>, vector<136x256xf32> -> vector<136x256xf32>
    %add3A = vector.broadcast %broadcast_in_dim3A_8 : vector<136x1xf32> to vector<136x256xf32>
    %add3A_13 = arith.addf %dot_general3A_12, %add3A : vector<136x256xf32>
    %mul3A = arith.mulf %convert_element_type3A_11, %add3A_13 : vector<136x256xf32>
    %reduce_sum3A = arith.constant dense<0.000000e+00> : vector<256xf32>
    %reduce_sum3A_14 = vector.multi_reduction <add>, %mul3A, %reduce_sum3A [0] : vector<136x256xf32> to vector<256xf32>
    %broadcast_in_dim3A_15 = vector.shape_cast %reduce_sum3A_14 : vector<256xf32> to vector<1x256xf32>
    %reduce_sum3A_16 = arith.constant dense<0.000000e+00> : vector<136xf32>
    %reduce_sum3A_17 = vector.multi_reduction <add>, %convert_element_type3A_11, %reduce_sum3A_16 [1] : vector<136x256xf32> to vector<136xf32>
    %broadcast_in_dim3A_18 = vector.shape_cast %reduce_sum3A_17 : vector<136xf32> to vector<136x1xf32>
    %add3A_19 = arith.addf %broadcast_in_dim3A_8, %broadcast_in_dim3A_18 : vector<136x1xf32>
    %slice3A_20 = vector.extract_strided_slice %get3A_4 {offsets = [1, 0], sizes = [1, 256], strides = [1, 1]} : vector<8x256xi32> to vector<1x256xi32>
    %eq3A_21 = vector.broadcast %slice3A_20 : vector<1x256xi32> to vector<136x256xi32>
    %eq3A_22 = arith.cmpi eq, %iota3A_7, %eq3A_21 : vector<136x256xi32>
    %convert_element_type3A_23 = arith.extui %eq3A_22 : vector<136x256xi1> to vector<136x256xi32>
    %convert_element_type3A_24 = arith.sitofp %convert_element_type3A_23 : vector<136x256xi32> to vector<136x256xf32>
    %dot_general3A_25 = arith.constant dense<0.000000e+00> : vector<136x256xf32>
    %dot_general3A_26 = tpu.matmul %convert_element_type3A_24, %convert_element_type3A_6, %dot_general3A_25 {dimension_numbers = #tpu.dot_dimension_numbers<[1], [0], [0], [1], [0, 0, 1, 1], [], []>, transpose_lhs_hint = false} : vector<136x256xf32>, vector<256x256xf32>, vector<136x256xf32> -> vector<136x256xf32>
    %add3A_27 = vector.broadcast %add3A_19 : vector<136x1xf32> to vector<136x256xf32>
    %add3A_28 = arith.addf %dot_general3A_26, %add3A_27 : vector<136x256xf32>
    %mul3A_29 = arith.mulf %convert_element_type3A_24, %add3A_28 : vector<136x256xf32>
    %reduce_sum3A_30 = arith.constant dense<0.000000e+00> : vector<256xf32>
    %reduce_sum3A_31 = vector.multi_reduction <add>, %mul3A_29, %reduce_sum3A_30 [0] : vector<136x256xf32> to vector<256xf32>
    %broadcast_in_dim3A_32 = vector.shape_cast %reduce_sum3A_31 : vector<256xf32> to vector<1x256xf32>
    %reduce_sum3A_33 = arith.constant dense<0.000000e+00> : vector<136xf32>
    %reduce_sum3A_34 = vector.multi_reduction <add>, %convert_element_type3A_24, %reduce_sum3A_33 [1] : vector<136x256xf32> to vector<136xf32>
    %broadcast_in_dim3A_35 = vector.shape_cast %reduce_sum3A_34 : vector<136xf32> to vector<136x1xf32>
    %add3A_36 = arith.addf %add3A_19, %broadcast_in_dim3A_35 : vector<136x1xf32>
    %slice3A_37 = vector.extract_strided_slice %get3A_4 {offsets = [2, 0], sizes = [1, 256], strides = [1, 1]} : vector<8x256xi32> to vector<1x256xi32>
    %eq3A_38 = vector.broadcast %slice3A_37 : vector<1x256xi32> to vector<136x256xi32>
    %eq3A_39 = arith.cmpi eq, %iota3A_7, %eq3A_38 : vector<136x256xi32>
    %convert_element_type3A_40 = arith.extui %eq3A_39 : vector<136x256xi1> to vector<136x256xi32>
    %convert_element_type3A_41 = arith.sitofp %convert_element_type3A_40 : vector<136x256xi32> to vector<136x256xf32>
    %dot_general3A_42 = arith.constant dense<0.000000e+00> : vector<136x256xf32>
    %dot_general3A_43 = tpu.matmul %convert_element_type3A_41, %convert_element_type3A_6, %dot_general3A_42 {dimension_numbers = #tpu.dot_dimension_numbers<[1], [0], [0], [1], [0, 0, 1, 1], [], []>, transpose_lhs_hint = false} : vector<136x256xf32>, vector<256x256xf32>, vector<136x256xf32> -> vector<136x256xf32>
    %add3A_44 = vector.broadcast %add3A_36 : vector<136x1xf32> to vector<136x256xf32>
    %add3A_45 = arith.addf %dot_general3A_43, %add3A_44 : vector<136x256xf32>
    %mul3A_46 = arith.mulf %convert_element_type3A_41, %add3A_45 : vector<136x256xf32>
    %reduce_sum3A_47 = arith.constant dense<0.000000e+00> : vector<256xf32>
    %reduce_sum3A_48 = vector.multi_reduction <add>, %mul3A_46, %reduce_sum3A_47 [0] : vector<136x256xf32> to vector<256xf32>
    %broadcast_in_dim3A_49 = vector.shape_cast %reduce_sum3A_48 : vector<256xf32> to vector<1x256xf32>
    %reduce_sum3A_50 = arith.constant dense<0.000000e+00> : vector<136xf32>
    %reduce_sum3A_51 = vector.multi_reduction <add>, %convert_element_type3A_41, %reduce_sum3A_50 [1] : vector<136x256xf32> to vector<136xf32>
    %broadcast_in_dim3A_52 = vector.shape_cast %reduce_sum3A_51 : vector<136xf32> to vector<136x1xf32>
    %add3A_53 = arith.addf %add3A_36, %broadcast_in_dim3A_52 : vector<136x1xf32>
    %slice3A_54 = vector.extract_strided_slice %get3A_4 {offsets = [3, 0], sizes = [1, 256], strides = [1, 1]} : vector<8x256xi32> to vector<1x256xi32>
    %eq3A_55 = vector.broadcast %slice3A_54 : vector<1x256xi32> to vector<136x256xi32>
    %eq3A_56 = arith.cmpi eq, %iota3A_7, %eq3A_55 : vector<136x256xi32>
    %convert_element_type3A_57 = arith.extui %eq3A_56 : vector<136x256xi1> to vector<136x256xi32>
    %convert_element_type3A_58 = arith.sitofp %convert_element_type3A_57 : vector<136x256xi32> to vector<136x256xf32>
    %dot_general3A_59 = arith.constant dense<0.000000e+00> : vector<136x256xf32>
    %dot_general3A_60 = tpu.matmul %convert_element_type3A_58, %convert_element_type3A_6, %dot_general3A_59 {dimension_numbers = #tpu.dot_dimension_numbers<[1], [0], [0], [1], [0, 0, 1, 1], [], []>, transpose_lhs_hint = false} : vector<136x256xf32>, vector<256x256xf32>, vector<136x256xf32> -> vector<136x256xf32>
    %add3A_61 = vector.broadcast %add3A_53 : vector<136x1xf32> to vector<136x256xf32>
    %add3A_62 = arith.addf %dot_general3A_60, %add3A_61 : vector<136x256xf32>
    %mul3A_63 = arith.mulf %convert_element_type3A_58, %add3A_62 : vector<136x256xf32>
    %reduce_sum3A_64 = arith.constant dense<0.000000e+00> : vector<256xf32>
    %reduce_sum3A_65 = vector.multi_reduction <add>, %mul3A_63, %reduce_sum3A_64 [0] : vector<136x256xf32> to vector<256xf32>
    %broadcast_in_dim3A_66 = vector.shape_cast %reduce_sum3A_65 : vector<256xf32> to vector<1x256xf32>
    %reduce_sum3A_67 = arith.constant dense<0.000000e+00> : vector<136xf32>
    %reduce_sum3A_68 = vector.multi_reduction <add>, %convert_element_type3A_58, %reduce_sum3A_67 [1] : vector<136x256xf32> to vector<136xf32>
    %broadcast_in_dim3A_69 = vector.shape_cast %reduce_sum3A_68 : vector<136xf32> to vector<136x1xf32>
    %add3A_70 = arith.addf %add3A_53, %broadcast_in_dim3A_69 : vector<136x1xf32>
    %slice3A_71 = vector.extract_strided_slice %get3A_4 {offsets = [4, 0], sizes = [1, 256], strides = [1, 1]} : vector<8x256xi32> to vector<1x256xi32>
    %eq3A_72 = vector.broadcast %slice3A_71 : vector<1x256xi32> to vector<136x256xi32>
    %eq3A_73 = arith.cmpi eq, %iota3A_7, %eq3A_72 : vector<136x256xi32>
    %convert_element_type3A_74 = arith.extui %eq3A_73 : vector<136x256xi1> to vector<136x256xi32>
    %convert_element_type3A_75 = arith.sitofp %convert_element_type3A_74 : vector<136x256xi32> to vector<136x256xf32>
    %dot_general3A_76 = arith.constant dense<0.000000e+00> : vector<136x256xf32>
    %dot_general3A_77 = tpu.matmul %convert_element_type3A_75, %convert_element_type3A_6, %dot_general3A_76 {dimension_numbers = #tpu.dot_dimension_numbers<[1], [0], [0], [1], [0, 0, 1, 1], [], []>, transpose_lhs_hint = false} : vector<136x256xf32>, vector<256x256xf32>, vector<136x256xf32> -> vector<136x256xf32>
    %add3A_78 = vector.broadcast %add3A_70 : vector<136x1xf32> to vector<136x256xf32>
    %add3A_79 = arith.addf %dot_general3A_77, %add3A_78 : vector<136x256xf32>
    %mul3A_80 = arith.mulf %convert_element_type3A_75, %add3A_79 : vector<136x256xf32>
    %reduce_sum3A_81 = arith.constant dense<0.000000e+00> : vector<256xf32>
    %reduce_sum3A_82 = vector.multi_reduction <add>, %mul3A_80, %reduce_sum3A_81 [0] : vector<136x256xf32> to vector<256xf32>
    %broadcast_in_dim3A_83 = vector.shape_cast %reduce_sum3A_82 : vector<256xf32> to vector<1x256xf32>
    %reduce_sum3A_84 = arith.constant dense<0.000000e+00> : vector<136xf32>
    %reduce_sum3A_85 = vector.multi_reduction <add>, %convert_element_type3A_75, %reduce_sum3A_84 [1] : vector<136x256xf32> to vector<136xf32>
    %broadcast_in_dim3A_86 = vector.shape_cast %reduce_sum3A_85 : vector<136xf32> to vector<136x1xf32>
    %add3A_87 = arith.addf %add3A_70, %broadcast_in_dim3A_86 : vector<136x1xf32>
    %slice3A_88 = vector.extract_strided_slice %get3A_4 {offsets = [5, 0], sizes = [1, 256], strides = [1, 1]} : vector<8x256xi32> to vector<1x256xi32>
    %eq3A_89 = vector.broadcast %slice3A_88 : vector<1x256xi32> to vector<136x256xi32>
    %eq3A_90 = arith.cmpi eq, %iota3A_7, %eq3A_89 : vector<136x256xi32>
    %convert_element_type3A_91 = arith.extui %eq3A_90 : vector<136x256xi1> to vector<136x256xi32>
    %convert_element_type3A_92 = arith.sitofp %convert_element_type3A_91 : vector<136x256xi32> to vector<136x256xf32>
    %dot_general3A_93 = arith.constant dense<0.000000e+00> : vector<136x256xf32>
    %dot_general3A_94 = tpu.matmul %convert_element_type3A_92, %convert_element_type3A_6, %dot_general3A_93 {dimension_numbers = #tpu.dot_dimension_numbers<[1], [0], [0], [1], [0, 0, 1, 1], [], []>, transpose_lhs_hint = false} : vector<136x256xf32>, vector<256x256xf32>, vector<136x256xf32> -> vector<136x256xf32>
    %add3A_95 = vector.broadcast %add3A_87 : vector<136x1xf32> to vector<136x256xf32>
    %add3A_96 = arith.addf %dot_general3A_94, %add3A_95 : vector<136x256xf32>
    %mul3A_97 = arith.mulf %convert_element_type3A_92, %add3A_96 : vector<136x256xf32>
    %reduce_sum3A_98 = arith.constant dense<0.000000e+00> : vector<256xf32>
    %reduce_sum3A_99 = vector.multi_reduction <add>, %mul3A_97, %reduce_sum3A_98 [0] : vector<136x256xf32> to vector<256xf32>
    %broadcast_in_dim3A_100 = vector.shape_cast %reduce_sum3A_99 : vector<256xf32> to vector<1x256xf32>
    %reduce_sum3A_101 = arith.constant dense<0.000000e+00> : vector<136xf32>
    %reduce_sum3A_102 = vector.multi_reduction <add>, %convert_element_type3A_92, %reduce_sum3A_101 [1] : vector<136x256xf32> to vector<136xf32>
    %broadcast_in_dim3A_103 = vector.shape_cast %reduce_sum3A_102 : vector<136xf32> to vector<136x1xf32>
    %add3A_104 = arith.addf %add3A_87, %broadcast_in_dim3A_103 : vector<136x1xf32>
    %slice3A_105 = vector.extract_strided_slice %get3A_4 {offsets = [6, 0], sizes = [1, 256], strides = [1, 1]} : vector<8x256xi32> to vector<1x256xi32>
    %eq3A_106 = vector.broadcast %slice3A_105 : vector<1x256xi32> to vector<136x256xi32>
    %eq3A_107 = arith.cmpi eq, %iota3A_7, %eq3A_106 : vector<136x256xi32>
    %convert_element_type3A_108 = arith.extui %eq3A_107 : vector<136x256xi1> to vector<136x256xi32>
    %convert_element_type3A_109 = arith.sitofp %convert_element_type3A_108 : vector<136x256xi32> to vector<136x256xf32>
    %dot_general3A_110 = arith.constant dense<0.000000e+00> : vector<136x256xf32>
    %dot_general3A_111 = tpu.matmul %convert_element_type3A_109, %convert_element_type3A_6, %dot_general3A_110 {dimension_numbers = #tpu.dot_dimension_numbers<[1], [0], [0], [1], [0, 0, 1, 1], [], []>, transpose_lhs_hint = false} : vector<136x256xf32>, vector<256x256xf32>, vector<136x256xf32> -> vector<136x256xf32>
    %add3A_112 = vector.broadcast %add3A_104 : vector<136x1xf32> to vector<136x256xf32>
    %add3A_113 = arith.addf %dot_general3A_111, %add3A_112 : vector<136x256xf32>
    %mul3A_114 = arith.mulf %convert_element_type3A_109, %add3A_113 : vector<136x256xf32>
    %reduce_sum3A_115 = arith.constant dense<0.000000e+00> : vector<256xf32>
    %reduce_sum3A_116 = vector.multi_reduction <add>, %mul3A_114, %reduce_sum3A_115 [0] : vector<136x256xf32> to vector<256xf32>
    %broadcast_in_dim3A_117 = vector.shape_cast %reduce_sum3A_116 : vector<256xf32> to vector<1x256xf32>
    %reduce_sum3A_118 = arith.constant dense<0.000000e+00> : vector<136xf32>
    %reduce_sum3A_119 = vector.multi_reduction <add>, %convert_element_type3A_109, %reduce_sum3A_118 [1] : vector<136x256xf32> to vector<136xf32>
    %broadcast_in_dim3A_120 = vector.shape_cast %reduce_sum3A_119 : vector<136xf32> to vector<136x1xf32>
    %add3A_121 = arith.addf %add3A_104, %broadcast_in_dim3A_120 : vector<136x1xf32>
    %slice3A_122 = vector.extract_strided_slice %get3A_4 {offsets = [7, 0], sizes = [1, 256], strides = [1, 1]} : vector<8x256xi32> to vector<1x256xi32>
    %eq3A_123 = vector.broadcast %slice3A_122 : vector<1x256xi32> to vector<136x256xi32>
    %eq3A_124 = arith.cmpi eq, %iota3A_7, %eq3A_123 : vector<136x256xi32>
    %convert_element_type3A_125 = arith.extui %eq3A_124 : vector<136x256xi1> to vector<136x256xi32>
    %convert_element_type3A_126 = arith.sitofp %convert_element_type3A_125 : vector<136x256xi32> to vector<136x256xf32>
    %dot_general3A_127 = arith.constant dense<0.000000e+00> : vector<136x256xf32>
    %dot_general3A_128 = tpu.matmul %convert_element_type3A_126, %convert_element_type3A_6, %dot_general3A_127 {dimension_numbers = #tpu.dot_dimension_numbers<[1], [0], [0], [1], [0, 0, 1, 1], [], []>, transpose_lhs_hint = false} : vector<136x256xf32>, vector<256x256xf32>, vector<136x256xf32> -> vector<136x256xf32>
    %add3A_129 = vector.broadcast %add3A_121 : vector<136x1xf32> to vector<136x256xf32>
    %add3A_130 = arith.addf %dot_general3A_128, %add3A_129 : vector<136x256xf32>
    %mul3A_131 = arith.mulf %convert_element_type3A_126, %add3A_130 : vector<136x256xf32>
    %reduce_sum3A_132 = arith.constant dense<0.000000e+00> : vector<256xf32>
    %reduce_sum3A_133 = vector.multi_reduction <add>, %mul3A_131, %reduce_sum3A_132 [0] : vector<136x256xf32> to vector<256xf32>
    %broadcast_in_dim3A_134 = vector.shape_cast %reduce_sum3A_133 : vector<256xf32> to vector<1x256xf32>
    %reduce_sum3A_135 = arith.constant dense<0.000000e+00> : vector<136xf32>
    %reduce_sum3A_136 = vector.multi_reduction <add>, %convert_element_type3A_126, %reduce_sum3A_135 [1] : vector<136x256xf32> to vector<136xf32>
    %broadcast_in_dim3A_137 = vector.shape_cast %reduce_sum3A_136 : vector<136xf32> to vector<136x1xf32>
    %add3A_138 = arith.addf %add3A_121, %broadcast_in_dim3A_137 : vector<136x1xf32>
    %concatenate3A = tpu.concatenate %broadcast_in_dim3A_15, %broadcast_in_dim3A_32, %broadcast_in_dim3A_49, %broadcast_in_dim3A_66, %broadcast_in_dim3A_83, %broadcast_in_dim3A_100, %broadcast_in_dim3A_117, %broadcast_in_dim3A_134 in 0 : vector<1x256xf32>, vector<1x256xf32>, vector<1x256xf32>, vector<1x256xf32>, vector<1x256xf32>, vector<1x256xf32>, vector<1x256xf32>, vector<1x256xf32> -> vector<8x256xf32>
    %swap3A = arith.constant 0 : index
    %swap3A_139 = arith.constant 0 : index
    %swap3A_140 = arith.constant 0 : index
    %swap3A_141 = arith.constant 0 : index
    %swap3A_142 = vector.load %arg3[%swap3A, %swap3A_139, %swap3A_140, %swap3A_141] : memref<1x1x8x256xf32, #tpu.memory_space<vmem>>, vector<1x1x8x256xf32>
    %swap3A_143 = vector.shape_cast %swap3A_142 : vector<1x1x8x256xf32> to vector<8x256xf32>
    %swap3A_144 = vector.shape_cast %concatenate3A : vector<8x256xf32> to vector<1x1x8x256xf32>
    tpu.vector_store %arg3[%swap3A, %swap3A_139, %swap3A_140, %swap3A_141], %swap3A_144 {strides = array<i32>} : memref<1x1x8x256xf32, #tpu.memory_space<vmem>>, vector<1x1x8x256xf32>,
    %swap3A_145 = arith.constant 0 : index
    %swap3A_146 = arith.constant 0 : index
    %swap3A_147 = arith.constant 0 : index
    %swap3A_148 = arith.constant 0 : index
    %swap3A_149 = vector.load %arg4[%swap3A_145, %swap3A_146, %swap3A_147, %swap3A_148] : memref<1x1x136x1xf32, #tpu.memory_space<vmem>>, vector<1x1x136x1xf32>
    %swap3A_150 = vector.shape_cast %swap3A_149 : vector<1x1x136x1xf32> to vector<136x1xf32>
    %swap3A_151 = vector.shape_cast %add3A_138 : vector<136x1xf32> to vector<1x1x136x1xf32>
    tpu.vector_store %arg4[%swap3A_145, %swap3A_146, %swap3A_147, %swap3A_148], %swap3A_151 {strides = array<i32>} : memref<1x1x136x1xf32, #tpu.memory_space<vmem>>, vector<1x1x136x1xf32>,
    return
  }
  func.func @transform_0(%arg0: i32, %arg1: i32) -> (i32, i32, i32, i32) {
    %c0_i32 = arith.constant 0 : i32
    %c0_i32_0 = arith.constant 0 : i32
    %c0_i32_1 = arith.constant 0 : i32
    return %arg0, %arg1, %c0_i32, %c0_i32_0 : i32, i32, i32, i32
  }
  func.func @transform_1(%arg0: i32, %arg1: i32) -> (i32, i32, i32, i32) {
    %c0_i32 = arith.constant 0 : i32
    %c0_i32_0 = arith.constant 0 : i32
    %c0_i32_1 = arith.constant 0 : i32
    return %arg0, %arg1, %c0_i32, %c0_i32_0 : i32, i32, i32, i32
  }
  func.func @transform_2(%arg0: i32, %arg1: i32) -> (i32, i32, i32, i32) {
    %c0_i32 = arith.constant 0 : i32
    %c0_i32_0 = arith.constant 0 : i32
    %c0_i32_1 = arith.constant 0 : i32
    return %arg0, %arg1, %c0_i32, %c0_i32_0 : i32, i32, i32, i32
  }
}

module attributes {stable_mosaic.version = 14 : i64} {
  func.func @_offsets_body(%arg0: i32, %arg1: i32, %arg2: memref<1x1x136x1xf32, #tpu.memory_space<vmem>>, %arg3: memref<1x1x136x1xf32, #tpu.memory_space<vmem>>, %arg4: memref<1x136x1xf32, #tpu.memory_space<vmem>>, %arg5: memref<136x1xf32, #tpu.memory_space<vmem>>) attributes {dimension_semantics = [#tpu.dimension_semantics<arbitrary>, #tpu.dimension_semantics<arbitrary>], iteration_bounds = array<i64: 4, 16>, scalar_prefetch = 0 : i64, scratch_operands = 1 : i64, tpu.core_type = #tpu.core_type<tc>, window_params = [{transform_indices = @transform_0, window_bounds = array<i64: 1, 1, 136, 1>}, {transform_indices = @transform_1, window_bounds = array<i64: 1, 1, 136, 1>}, {transform_indices = @transform_2, window_bounds = array<i64: 1, 136, 1>}]} {
    %eq3A = arith.constant 0 : i32
    %eq3A_0 = arith.cmpi eq, %arg1, %eq3A : i32
    %convert_element_type3A = arith.extui %eq3A_0 : i1 to i32
    %cond3A = arith.constant 0 : i32
    %cond3A_1 = arith.cmpi ne, %convert_element_type3A, %cond3A : i32
    scf.if %cond3A_1 {
      %broadcast_in_dim3A_92 = arith.constant 0.000000e+00 : f32
      %broadcast_in_dim3A_93 = vector.broadcast %broadcast_in_dim3A_92 : f32 to vector<136x1xf32>
      %swap3A_94 = arith.constant 0 : index
      %swap3A_95 = arith.constant 0 : index
      %swap3A_96 = vector.load %arg5[%swap3A_94, %swap3A_95] : memref<136x1xf32, #tpu.memory_space<vmem>>, vector<136x1xf32>
      tpu.vector_store %arg5[%swap3A_94, %swap3A_95], %broadcast_in_dim3A_93 {strides = array<i32>} : memref<136x1xf32, #tpu.memory_space<vmem>>, vector<136x1xf32>,
    } else {
    }
    %get3A = arith.constant 0 : index
    %get3A_2 = arith.constant 0 : index
    %get3A_3 = vector.load %arg5[%get3A, %get3A_2] : memref<136x1xf32, #tpu.memory_space<vmem>>, vector<136x1xf32>
    %swap3A = arith.constant 0 : index
    %swap3A_4 = arith.constant 0 : index
    %swap3A_5 = arith.constant 0 : index
    %swap3A_6 = arith.constant 0 : index
    %swap3A_7 = vector.load %arg3[%swap3A, %swap3A_4, %swap3A_5, %swap3A_6] : memref<1x1x136x1xf32, #tpu.memory_space<vmem>>, vector<1x1x136x1xf32>
    %swap3A_8 = vector.shape_cast %swap3A_7 : vector<1x1x136x1xf32> to vector<136x1xf32>
    %swap3A_9 = vector.shape_cast %get3A_3 : vector<136x1xf32> to vector<1x1x136x1xf32>
    tpu.vector_store %arg3[%swap3A, %swap3A_4, %swap3A_5, %swap3A_6], %swap3A_9 {strides = array<i32>} : memref<1x1x136x1xf32, #tpu.memory_space<vmem>>, vector<1x1x136x1xf32>,
    %get3A_10 = arith.constant 0 : index
    %get3A_11 = arith.constant 0 : index
    %get3A_12 = arith.constant 0 : index
    %get3A_13 = arith.constant 0 : index
    %get3A_14 = vector.load %arg2[%get3A_10, %get3A_11, %get3A_12, %get3A_13] : memref<1x1x136x1xf32, #tpu.memory_space<vmem>>, vector<1x1x136x1xf32>
    %get3A_15 = vector.shape_cast %get3A_14 : vector<1x1x136x1xf32> to vector<136x1xf32>
    %add3A = arith.addf %get3A_3, %get3A_15 : vector<136x1xf32>
    %swap3A_16 = arith.constant 0 : index
    %swap3A_17 = arith.constant 0 : index
    %swap3A_18 = vector.load %arg5[%swap3A_16, %swap3A_17] : memref<136x1xf32, #tpu.memory_space<vmem>>, vector<136x1xf32>
    tpu.vector_store %arg5[%swap3A_16, %swap3A_17], %add3A {strides = array<i32>} : memref<136x1xf32, #tpu.memory_space<vmem>>, vector<136x1xf32>,
    %iota3A = tpu.iota {dimensions = array<i32: 0>} : vector<136x1xi32>
    %ge3A = arith.constant 1 : i32
    %ge3A_19 = vector.broadcast %ge3A : i32 to vector<136x1xi32>
    %ge3A_20 = arith.cmpi sge, %iota3A, %ge3A_19 : vector<136x1xi32>
    %roll3A = arith.constant 1 : i32
    %roll3A_21 = tpu.dynamic_rotate %add3A by %roll3A dim 0 : vector<136x1xf32>, i32 -> vector<136x1xf32>
    %jit3A = arith.constant 0.000000e+00 : f32
    %broadcast_in_dim3A = vector.broadcast %jit3A : f32 to vector<136x1xf32>
    %select_n3A = arith.select %ge3A_20, %roll3A_21, %broadcast_in_dim3A : vector<136x1xi1>, vector<136x1xf32>
    %add3A_22 = arith.addf %add3A, %select_n3A : vector<136x1xf32>
    %ge3A_23 = arith.constant 2 : i32
    %ge3A_24 = vector.broadcast %ge3A_23 : i32 to vector<136x1xi32>
    %ge3A_25 = arith.cmpi sge, %iota3A, %ge3A_24 : vector<136x1xi32>
    %roll3A_26 = arith.constant 2 : i32
    %roll3A_27 = tpu.dynamic_rotate %add3A_22 by %roll3A_26 dim 0 : vector<136x1xf32>, i32 -> vector<136x1xf32>
    %jit3A_28 = arith.constant 0.000000e+00 : f32
    %broadcast_in_dim3A_29 = vector.broadcast %jit3A_28 : f32 to vector<136x1xf32>
    %select_n3A_30 = arith.select %ge3A_25, %roll3A_27, %broadcast_in_dim3A_29 : vector<136x1xi1>, vector<136x1xf32>
    %add3A_31 = arith.addf %add3A_22, %select_n3A_30 : vector<136x1xf32>
    %ge3A_32 = arith.constant 4 : i32
    %ge3A_33 = vector.broadcast %ge3A_32 : i32 to vector<136x1xi32>
    %ge3A_34 = arith.cmpi sge, %iota3A, %ge3A_33 : vector<136x1xi32>
    %roll3A_35 = arith.constant 4 : i32
    %roll3A_36 = tpu.dynamic_rotate %add3A_31 by %roll3A_35 dim 0 : vector<136x1xf32>, i32 -> vector<136x1xf32>
    %jit3A_37 = arith.constant 0.000000e+00 : f32
    %broadcast_in_dim3A_38 = vector.broadcast %jit3A_37 : f32 to vector<136x1xf32>
    %select_n3A_39 = arith.select %ge3A_34, %roll3A_36, %broadcast_in_dim3A_38 : vector<136x1xi1>, vector<136x1xf32>
    %add3A_40 = arith.addf %add3A_31, %select_n3A_39 : vector<136x1xf32>
    %ge3A_41 = arith.constant 8 : i32
    %ge3A_42 = vector.broadcast %ge3A_41 : i32 to vector<136x1xi32>
    %ge3A_43 = arith.cmpi sge, %iota3A, %ge3A_42 : vector<136x1xi32>
    %roll3A_44 = arith.constant 8 : i32
    %roll3A_45 = tpu.dynamic_rotate %add3A_40 by %roll3A_44 dim 0 : vector<136x1xf32>, i32 -> vector<136x1xf32>
    %jit3A_46 = arith.constant 0.000000e+00 : f32
    %broadcast_in_dim3A_47 = vector.broadcast %jit3A_46 : f32 to vector<136x1xf32>
    %select_n3A_48 = arith.select %ge3A_43, %roll3A_45, %broadcast_in_dim3A_47 : vector<136x1xi1>, vector<136x1xf32>
    %add3A_49 = arith.addf %add3A_40, %select_n3A_48 : vector<136x1xf32>
    %ge3A_50 = arith.constant 16 : i32
    %ge3A_51 = vector.broadcast %ge3A_50 : i32 to vector<136x1xi32>
    %ge3A_52 = arith.cmpi sge, %iota3A, %ge3A_51 : vector<136x1xi32>
    %roll3A_53 = arith.constant 16 : i32
    %roll3A_54 = tpu.dynamic_rotate %add3A_49 by %roll3A_53 dim 0 : vector<136x1xf32>, i32 -> vector<136x1xf32>
    %jit3A_55 = arith.constant 0.000000e+00 : f32
    %broadcast_in_dim3A_56 = vector.broadcast %jit3A_55 : f32 to vector<136x1xf32>
    %select_n3A_57 = arith.select %ge3A_52, %roll3A_54, %broadcast_in_dim3A_56 : vector<136x1xi1>, vector<136x1xf32>
    %add3A_58 = arith.addf %add3A_49, %select_n3A_57 : vector<136x1xf32>
    %ge3A_59 = arith.constant 32 : i32
    %ge3A_60 = vector.broadcast %ge3A_59 : i32 to vector<136x1xi32>
    %ge3A_61 = arith.cmpi sge, %iota3A, %ge3A_60 : vector<136x1xi32>
    %roll3A_62 = arith.constant 32 : i32
    %roll3A_63 = tpu.dynamic_rotate %add3A_58 by %roll3A_62 dim 0 : vector<136x1xf32>, i32 -> vector<136x1xf32>
    %jit3A_64 = arith.constant 0.000000e+00 : f32
    %broadcast_in_dim3A_65 = vector.broadcast %jit3A_64 : f32 to vector<136x1xf32>
    %select_n3A_66 = arith.select %ge3A_61, %roll3A_63, %broadcast_in_dim3A_65 : vector<136x1xi1>, vector<136x1xf32>
    %add3A_67 = arith.addf %add3A_58, %select_n3A_66 : vector<136x1xf32>
    %ge3A_68 = arith.constant 64 : i32
    %ge3A_69 = vector.broadcast %ge3A_68 : i32 to vector<136x1xi32>
    %ge3A_70 = arith.cmpi sge, %iota3A, %ge3A_69 : vector<136x1xi32>
    %roll3A_71 = arith.constant 64 : i32
    %roll3A_72 = tpu.dynamic_rotate %add3A_67 by %roll3A_71 dim 0 : vector<136x1xf32>, i32 -> vector<136x1xf32>
    %jit3A_73 = arith.constant 0.000000e+00 : f32
    %broadcast_in_dim3A_74 = vector.broadcast %jit3A_73 : f32 to vector<136x1xf32>
    %select_n3A_75 = arith.select %ge3A_70, %roll3A_72, %broadcast_in_dim3A_74 : vector<136x1xi1>, vector<136x1xf32>
    %add3A_76 = arith.addf %add3A_67, %select_n3A_75 : vector<136x1xf32>
    %ge3A_77 = arith.constant 128 : i32
    %ge3A_78 = vector.broadcast %ge3A_77 : i32 to vector<136x1xi32>
    %ge3A_79 = arith.cmpi sge, %iota3A, %ge3A_78 : vector<136x1xi32>
    %roll3A_80 = arith.constant 128 : i32
    %roll3A_81 = tpu.dynamic_rotate %add3A_76 by %roll3A_80 dim 0 : vector<136x1xf32>, i32 -> vector<136x1xf32>
    %jit3A_82 = arith.constant 0.000000e+00 : f32
    %broadcast_in_dim3A_83 = vector.broadcast %jit3A_82 : f32 to vector<136x1xf32>
    %select_n3A_84 = arith.select %ge3A_79, %roll3A_81, %broadcast_in_dim3A_83 : vector<136x1xi1>, vector<136x1xf32>
    %add3A_85 = arith.addf %add3A_76, %select_n3A_84 : vector<136x1xf32>
    %sub3A = arith.subf %add3A_85, %add3A : vector<136x1xf32>
    %swap3A_86 = arith.constant 0 : index
    %swap3A_87 = arith.constant 0 : index
    %swap3A_88 = arith.constant 0 : index
    %swap3A_89 = vector.load %arg4[%swap3A_86, %swap3A_87, %swap3A_88] : memref<1x136x1xf32, #tpu.memory_space<vmem>>, vector<1x136x1xf32>
    %swap3A_90 = vector.shape_cast %swap3A_89 : vector<1x136x1xf32> to vector<136x1xf32>
    %swap3A_91 = vector.shape_cast %sub3A : vector<136x1xf32> to vector<1x136x1xf32>
    tpu.vector_store %arg4[%swap3A_86, %swap3A_87, %swap3A_88], %swap3A_91 {strides = array<i32>} : memref<1x136x1xf32, #tpu.memory_space<vmem>>, vector<1x136x1xf32>,
    return
  }
  func.func @transform_0(%arg0: i32, %arg1: i32) -> (i32, i32, i32, i32) {
    %c0_i32 = arith.constant 0 : i32
    %c0_i32_0 = arith.constant 0 : i32
    %c0_i32_1 = arith.constant 0 : i32
    return %arg0, %arg1, %c0_i32, %c0_i32_0 : i32, i32, i32, i32
  }
  func.func @transform_1(%arg0: i32, %arg1: i32) -> (i32, i32, i32, i32) {
    %c0_i32 = arith.constant 0 : i32
    %c0_i32_0 = arith.constant 0 : i32
    %c0_i32_1 = arith.constant 0 : i32
    return %arg0, %arg1, %c0_i32, %c0_i32_0 : i32, i32, i32, i32
  }
  func.func @transform_2(%arg0: i32, %arg1: i32) -> (i32, i32, i32) {
    %c0_i32 = arith.constant 0 : i32
    %c0_i32_0 = arith.constant 0 : i32
    %c0_i32_1 = arith.constant 0 : i32
    return %arg0, %c0_i32, %c0_i32_0 : i32, i32, i32
  }
}

module attributes {stable_mosaic.version = 14 : i64} {
  func.func @_pos_body(%arg0: i32, %arg1: i32, %arg2: memref<1x1x8x256xi32, #tpu.memory_space<vmem>>, %arg3: memref<1x1x8x256xf32, #tpu.memory_space<vmem>>, %arg4: memref<1x1x136x1xf32, #tpu.memory_space<vmem>>, %arg5: memref<1x136x1xf32, #tpu.memory_space<vmem>>, %arg6: memref<1x1x8x256xi32, #tpu.memory_space<vmem>>) attributes {dimension_semantics = [#tpu.dimension_semantics<arbitrary>, #tpu.dimension_semantics<arbitrary>], iteration_bounds = array<i64: 4, 16>, scalar_prefetch = 0 : i64, scratch_operands = 0 : i64, tpu.core_type = #tpu.core_type<tc>, window_params = [{transform_indices = @transform_0, window_bounds = array<i64: 1, 1, 8, 256>}, {transform_indices = @transform_1, window_bounds = array<i64: 1, 1, 8, 256>}, {transform_indices = @transform_2, window_bounds = array<i64: 1, 1, 136, 1>}, {transform_indices = @transform_3, window_bounds = array<i64: 1, 136, 1>}, {transform_indices = @transform_4, window_bounds = array<i64: 1, 1, 8, 256>}]} {
    %get3A = arith.constant 0 : index
    %get3A_0 = arith.constant 0 : index
    %get3A_1 = arith.constant 0 : index
    %get3A_2 = arith.constant 0 : index
    %get3A_3 = vector.load %arg2[%get3A, %get3A_0, %get3A_1, %get3A_2] : memref<1x1x8x256xi32, #tpu.memory_space<vmem>>, vector<1x1x8x256xi32>
    %get3A_4 = vector.shape_cast %get3A_3 : vector<1x1x8x256xi32> to vector<8x256xi32>
    %get3A_5 = arith.constant 0 : index
    %get3A_6 = arith.constant 0 : index
    %get3A_7 = arith.constant 0 : index
    %get3A_8 = arith.constant 0 : index
    %get3A_9 = vector.load %arg4[%get3A_5, %get3A_6, %get3A_7, %get3A_8] : memref<1x1x136x1xf32, #tpu.memory_space<vmem>>, vector<1x1x136x1xf32>
    %get3A_10 = vector.shape_cast %get3A_9 : vector<1x1x136x1xf32> to vector<136x1xf32>
    %get3A_11 = arith.constant 0 : index
    %get3A_12 = arith.constant 0 : index
    %get3A_13 = arith.constant 0 : index
    %get3A_14 = vector.load %arg5[%get3A_11, %get3A_12, %get3A_13] : memref<1x136x1xf32, #tpu.memory_space<vmem>>, vector<1x136x1xf32>
    %get3A_15 = vector.shape_cast %get3A_14 : vector<1x136x1xf32> to vector<136x1xf32>
    %add3A = arith.addf %get3A_10, %get3A_15 : vector<136x1xf32>
    %iota3A = tpu.iota {dimensions = array<i32: 0>} : vector<136x256xi32>
    %slice3A = vector.extract_strided_slice %get3A_4 {offsets = [0, 0], sizes = [1, 256], strides = [1, 1]} : vector<8x256xi32> to vector<1x256xi32>
    %eq3A = vector.broadcast %slice3A : vector<1x256xi32> to vector<136x256xi32>
    %eq3A_16 = arith.cmpi eq, %iota3A, %eq3A : vector<136x256xi32>
    %convert_element_type3A = arith.extui %eq3A_16 : vector<136x256xi1> to vector<136x256xi32>
    %convert_element_type3A_17 = arith.sitofp %convert_element_type3A : vector<136x256xi32> to vector<136x256xf32>
    %mul3A = vector.broadcast %add3A : vector<136x1xf32> to vector<136x256xf32>
    %mul3A_18 = arith.mulf %convert_element_type3A_17, %mul3A : vector<136x256xf32>
    %reduce_sum3A = arith.constant dense<0.000000e+00> : vector<256xf32>
    %reduce_sum3A_19 = vector.multi_reduction <add>, %mul3A_18, %reduce_sum3A [0] : vector<136x256xf32> to vector<256xf32>
    %broadcast_in_dim3A = vector.shape_cast %reduce_sum3A_19 : vector<256xf32> to vector<1x256xf32>
    %slice3A_20 = vector.extract_strided_slice %get3A_4 {offsets = [1, 0], sizes = [1, 256], strides = [1, 1]} : vector<8x256xi32> to vector<1x256xi32>
    %eq3A_21 = vector.broadcast %slice3A_20 : vector<1x256xi32> to vector<136x256xi32>
    %eq3A_22 = arith.cmpi eq, %iota3A, %eq3A_21 : vector<136x256xi32>
    %convert_element_type3A_23 = arith.extui %eq3A_22 : vector<136x256xi1> to vector<136x256xi32>
    %convert_element_type3A_24 = arith.sitofp %convert_element_type3A_23 : vector<136x256xi32> to vector<136x256xf32>
    %mul3A_25 = vector.broadcast %add3A : vector<136x1xf32> to vector<136x256xf32>
    %mul3A_26 = arith.mulf %convert_element_type3A_24, %mul3A_25 : vector<136x256xf32>
    %reduce_sum3A_27 = arith.constant dense<0.000000e+00> : vector<256xf32>
    %reduce_sum3A_28 = vector.multi_reduction <add>, %mul3A_26, %reduce_sum3A_27 [0] : vector<136x256xf32> to vector<256xf32>
    %broadcast_in_dim3A_29 = vector.shape_cast %reduce_sum3A_28 : vector<256xf32> to vector<1x256xf32>
    %slice3A_30 = vector.extract_strided_slice %get3A_4 {offsets = [2, 0], sizes = [1, 256], strides = [1, 1]} : vector<8x256xi32> to vector<1x256xi32>
    %eq3A_31 = vector.broadcast %slice3A_30 : vector<1x256xi32> to vector<136x256xi32>
    %eq3A_32 = arith.cmpi eq, %iota3A, %eq3A_31 : vector<136x256xi32>
    %convert_element_type3A_33 = arith.extui %eq3A_32 : vector<136x256xi1> to vector<136x256xi32>
    %convert_element_type3A_34 = arith.sitofp %convert_element_type3A_33 : vector<136x256xi32> to vector<136x256xf32>
    %mul3A_35 = vector.broadcast %add3A : vector<136x1xf32> to vector<136x256xf32>
    %mul3A_36 = arith.mulf %convert_element_type3A_34, %mul3A_35 : vector<136x256xf32>
    %reduce_sum3A_37 = arith.constant dense<0.000000e+00> : vector<256xf32>
    %reduce_sum3A_38 = vector.multi_reduction <add>, %mul3A_36, %reduce_sum3A_37 [0] : vector<136x256xf32> to vector<256xf32>
    %broadcast_in_dim3A_39 = vector.shape_cast %reduce_sum3A_38 : vector<256xf32> to vector<1x256xf32>
    %slice3A_40 = vector.extract_strided_slice %get3A_4 {offsets = [3, 0], sizes = [1, 256], strides = [1, 1]} : vector<8x256xi32> to vector<1x256xi32>
    %eq3A_41 = vector.broadcast %slice3A_40 : vector<1x256xi32> to vector<136x256xi32>
    %eq3A_42 = arith.cmpi eq, %iota3A, %eq3A_41 : vector<136x256xi32>
    %convert_element_type3A_43 = arith.extui %eq3A_42 : vector<136x256xi1> to vector<136x256xi32>
    %convert_element_type3A_44 = arith.sitofp %convert_element_type3A_43 : vector<136x256xi32> to vector<136x256xf32>
    %mul3A_45 = vector.broadcast %add3A : vector<136x1xf32> to vector<136x256xf32>
    %mul3A_46 = arith.mulf %convert_element_type3A_44, %mul3A_45 : vector<136x256xf32>
    %reduce_sum3A_47 = arith.constant dense<0.000000e+00> : vector<256xf32>
    %reduce_sum3A_48 = vector.multi_reduction <add>, %mul3A_46, %reduce_sum3A_47 [0] : vector<136x256xf32> to vector<256xf32>
    %broadcast_in_dim3A_49 = vector.shape_cast %reduce_sum3A_48 : vector<256xf32> to vector<1x256xf32>
    %slice3A_50 = vector.extract_strided_slice %get3A_4 {offsets = [4, 0], sizes = [1, 256], strides = [1, 1]} : vector<8x256xi32> to vector<1x256xi32>
    %eq3A_51 = vector.broadcast %slice3A_50 : vector<1x256xi32> to vector<136x256xi32>
    %eq3A_52 = arith.cmpi eq, %iota3A, %eq3A_51 : vector<136x256xi32>
    %convert_element_type3A_53 = arith.extui %eq3A_52 : vector<136x256xi1> to vector<136x256xi32>
    %convert_element_type3A_54 = arith.sitofp %convert_element_type3A_53 : vector<136x256xi32> to vector<136x256xf32>
    %mul3A_55 = vector.broadcast %add3A : vector<136x1xf32> to vector<136x256xf32>
    %mul3A_56 = arith.mulf %convert_element_type3A_54, %mul3A_55 : vector<136x256xf32>
    %reduce_sum3A_57 = arith.constant dense<0.000000e+00> : vector<256xf32>
    %reduce_sum3A_58 = vector.multi_reduction <add>, %mul3A_56, %reduce_sum3A_57 [0] : vector<136x256xf32> to vector<256xf32>
    %broadcast_in_dim3A_59 = vector.shape_cast %reduce_sum3A_58 : vector<256xf32> to vector<1x256xf32>
    %slice3A_60 = vector.extract_strided_slice %get3A_4 {offsets = [5, 0], sizes = [1, 256], strides = [1, 1]} : vector<8x256xi32> to vector<1x256xi32>
    %eq3A_61 = vector.broadcast %slice3A_60 : vector<1x256xi32> to vector<136x256xi32>
    %eq3A_62 = arith.cmpi eq, %iota3A, %eq3A_61 : vector<136x256xi32>
    %convert_element_type3A_63 = arith.extui %eq3A_62 : vector<136x256xi1> to vector<136x256xi32>
    %convert_element_type3A_64 = arith.sitofp %convert_element_type3A_63 : vector<136x256xi32> to vector<136x256xf32>
    %mul3A_65 = vector.broadcast %add3A : vector<136x1xf32> to vector<136x256xf32>
    %mul3A_66 = arith.mulf %convert_element_type3A_64, %mul3A_65 : vector<136x256xf32>
    %reduce_sum3A_67 = arith.constant dense<0.000000e+00> : vector<256xf32>
    %reduce_sum3A_68 = vector.multi_reduction <add>, %mul3A_66, %reduce_sum3A_67 [0] : vector<136x256xf32> to vector<256xf32>
    %broadcast_in_dim3A_69 = vector.shape_cast %reduce_sum3A_68 : vector<256xf32> to vector<1x256xf32>
    %slice3A_70 = vector.extract_strided_slice %get3A_4 {offsets = [6, 0], sizes = [1, 256], strides = [1, 1]} : vector<8x256xi32> to vector<1x256xi32>
    %eq3A_71 = vector.broadcast %slice3A_70 : vector<1x256xi32> to vector<136x256xi32>
    %eq3A_72 = arith.cmpi eq, %iota3A, %eq3A_71 : vector<136x256xi32>
    %convert_element_type3A_73 = arith.extui %eq3A_72 : vector<136x256xi1> to vector<136x256xi32>
    %convert_element_type3A_74 = arith.sitofp %convert_element_type3A_73 : vector<136x256xi32> to vector<136x256xf32>
    %mul3A_75 = vector.broadcast %add3A : vector<136x1xf32> to vector<136x256xf32>
    %mul3A_76 = arith.mulf %convert_element_type3A_74, %mul3A_75 : vector<136x256xf32>
    %reduce_sum3A_77 = arith.constant dense<0.000000e+00> : vector<256xf32>
    %reduce_sum3A_78 = vector.multi_reduction <add>, %mul3A_76, %reduce_sum3A_77 [0] : vector<136x256xf32> to vector<256xf32>
    %broadcast_in_dim3A_79 = vector.shape_cast %reduce_sum3A_78 : vector<256xf32> to vector<1x256xf32>
    %slice3A_80 = vector.extract_strided_slice %get3A_4 {offsets = [7, 0], sizes = [1, 256], strides = [1, 1]} : vector<8x256xi32> to vector<1x256xi32>
    %eq3A_81 = vector.broadcast %slice3A_80 : vector<1x256xi32> to vector<136x256xi32>
    %eq3A_82 = arith.cmpi eq, %iota3A, %eq3A_81 : vector<136x256xi32>
    %convert_element_type3A_83 = arith.extui %eq3A_82 : vector<136x256xi1> to vector<136x256xi32>
    %convert_element_type3A_84 = arith.sitofp %convert_element_type3A_83 : vector<136x256xi32> to vector<136x256xf32>
    %mul3A_85 = vector.broadcast %add3A : vector<136x1xf32> to vector<136x256xf32>
    %mul3A_86 = arith.mulf %convert_element_type3A_84, %mul3A_85 : vector<136x256xf32>
    %reduce_sum3A_87 = arith.constant dense<0.000000e+00> : vector<256xf32>
    %reduce_sum3A_88 = vector.multi_reduction <add>, %mul3A_86, %reduce_sum3A_87 [0] : vector<136x256xf32> to vector<256xf32>
    %broadcast_in_dim3A_89 = vector.shape_cast %reduce_sum3A_88 : vector<256xf32> to vector<1x256xf32>
    %concatenate3A = tpu.concatenate %broadcast_in_dim3A, %broadcast_in_dim3A_29, %broadcast_in_dim3A_39, %broadcast_in_dim3A_49, %broadcast_in_dim3A_59, %broadcast_in_dim3A_69, %broadcast_in_dim3A_79, %broadcast_in_dim3A_89 in 0 : vector<1x256xf32>, vector<1x256xf32>, vector<1x256xf32>, vector<1x256xf32>, vector<1x256xf32>, vector<1x256xf32>, vector<1x256xf32>, vector<1x256xf32> -> vector<8x256xf32>
    %get3A_90 = arith.constant 0 : index
    %get3A_91 = arith.constant 0 : index
    %get3A_92 = arith.constant 0 : index
    %get3A_93 = arith.constant 0 : index
    %get3A_94 = vector.load %arg3[%get3A_90, %get3A_91, %get3A_92, %get3A_93] : memref<1x1x8x256xf32, #tpu.memory_space<vmem>>, vector<1x1x8x256xf32>
    %get3A_95 = vector.shape_cast %get3A_94 : vector<1x1x8x256xf32> to vector<8x256xf32>
    %add3A_96 = arith.addf %concatenate3A, %get3A_95 : vector<8x256xf32>
    %convert_element_type3A_97 = arith.fptosi %add3A_96 : vector<8x256xf32> to vector<8x256xi32>
    %mul3A_98 = arith.constant 32768 : i32
    %mul3A_99 = arith.muli %arg0, %mul3A_98 : i32
    %add3A_100 = vector.broadcast %mul3A_99 : i32 to vector<8x256xi32>
    %add3A_101 = arith.addi %convert_element_type3A_97, %add3A_100 : vector<8x256xi32>
    %swap3A = arith.constant 0 : index
    %swap3A_102 = arith.constant 0 : index
    %swap3A_103 = arith.constant 0 : index
    %swap3A_104 = arith.constant 0 : index
    %swap3A_105 = vector.load %arg6[%swap3A, %swap3A_102, %swap3A_103, %swap3A_104] : memref<1x1x8x256xi32, #tpu.memory_space<vmem>>, vector<1x1x8x256xi32>
    %swap3A_106 = vector.shape_cast %swap3A_105 : vector<1x1x8x256xi32> to vector<8x256xi32>
    %swap3A_107 = vector.shape_cast %add3A_101 : vector<8x256xi32> to vector<1x1x8x256xi32>
    tpu.vector_store %arg6[%swap3A, %swap3A_102, %swap3A_103, %swap3A_104], %swap3A_107 {strides = array<i32>} : memref<1x1x8x256xi32, #tpu.memory_space<vmem>>, vector<1x1x8x256xi32>,
    return
  }
  func.func @transform_0(%arg0: i32, %arg1: i32) -> (i32, i32, i32, i32) {
    %c0_i32 = arith.constant 0 : i32
    %c0_i32_0 = arith.constant 0 : i32
    %c0_i32_1 = arith.constant 0 : i32
    return %arg0, %arg1, %c0_i32, %c0_i32_0 : i32, i32, i32, i32
  }
  func.func @transform_1(%arg0: i32, %arg1: i32) -> (i32, i32, i32, i32) {
    %c0_i32 = arith.constant 0 : i32
    %c0_i32_0 = arith.constant 0 : i32
    %c0_i32_1 = arith.constant 0 : i32
    return %arg0, %arg1, %c0_i32, %c0_i32_0 : i32, i32, i32, i32
  }
  func.func @transform_2(%arg0: i32, %arg1: i32) -> (i32, i32, i32, i32) {
    %c0_i32 = arith.constant 0 : i32
    %c0_i32_0 = arith.constant 0 : i32
    %c0_i32_1 = arith.constant 0 : i32
    return %arg0, %arg1, %c0_i32, %c0_i32_0 : i32, i32, i32, i32
  }
  func.func @transform_3(%arg0: i32, %arg1: i32) -> (i32, i32, i32) {
    %c0_i32 = arith.constant 0 : i32
    %c0_i32_0 = arith.constant 0 : i32
    %c0_i32_1 = arith.constant 0 : i32
    return %arg0, %c0_i32, %c0_i32_0 : i32, i32, i32
  }
  func.func @transform_4(%arg0: i32, %arg1: i32) -> (i32, i32, i32, i32) {
    %c0_i32 = arith.constant 0 : i32
    %c0_i32_0 = arith.constant 0 : i32
    %c0_i32_1 = arith.constant 0 : i32
    return %arg0, %arg1, %c0_i32, %c0_i32_0 : i32, i32, i32, i32
  }
}

module attributes {stable_mosaic.version = 14 : i64} {
  func.func @_att_body(%arg0: i32, %arg1: i32, %arg2: memref<1x1x256x128xf32, #tpu.memory_space<vmem>>, %arg3: memref<1x1x8x128xf32, #tpu.memory_space<vmem>>, %arg4: memref<1x1x8x128xf32, #tpu.memory_space<vmem>>, %arg5: memref<1x1x256x128xf32, #tpu.memory_space<vmem>>, %arg6: memref<1x1x256x1xf32, #tpu.memory_space<vmem>>) attributes {dimension_semantics = [#tpu.dimension_semantics<arbitrary>, #tpu.dimension_semantics<arbitrary>], iteration_bounds = array<i64: 16, 32>, scalar_prefetch = 0 : i64, scratch_operands = 0 : i64, tpu.core_type = #tpu.core_type<tc>, window_params = [{transform_indices = @transform_0, window_bounds = array<i64: 1, 1, 256, 128>}, {transform_indices = @transform_1, window_bounds = array<i64: 1, 1, 8, 128>}, {transform_indices = @transform_2, window_bounds = array<i64: 1, 1, 8, 128>}, {transform_indices = @transform_3, window_bounds = array<i64: 1, 1, 256, 128>}, {transform_indices = @transform_4, window_bounds = array<i64: 1, 1, 256, 1>}]} {
    %get3A = arith.constant 0 : index
    %get3A_0 = arith.constant 0 : index
    %get3A_1 = arith.constant 0 : index
    %get3A_2 = arith.constant 0 : index
    %get3A_3 = vector.load %arg2[%get3A, %get3A_0, %get3A_1, %get3A_2] : memref<1x1x256x128xf32, #tpu.memory_space<vmem>>, vector<1x1x256x128xf32>
    %get3A_4 = vector.shape_cast %get3A_3 : vector<1x1x256x128xf32> to vector<256x128xf32>
    %get3A_5 = arith.constant 0 : index
    %get3A_6 = arith.constant 0 : index
    %get3A_7 = arith.constant 0 : index
    %get3A_8 = arith.constant 0 : index
    %get3A_9 = vector.load %arg3[%get3A_5, %get3A_6, %get3A_7, %get3A_8] : memref<1x1x8x128xf32, #tpu.memory_space<vmem>>, vector<1x1x8x128xf32>
    %get3A_10 = vector.shape_cast %get3A_9 : vector<1x1x8x128xf32> to vector<8x128xf32>
    %get3A_11 = arith.constant 0 : index
    %get3A_12 = arith.constant 0 : index
    %get3A_13 = arith.constant 0 : index
    %get3A_14 = arith.constant 0 : index
    %get3A_15 = vector.load %arg4[%get3A_11, %get3A_12, %get3A_13, %get3A_14] : memref<1x1x8x128xf32, #tpu.memory_space<vmem>>, vector<1x1x8x128xf32>
    %get3A_16 = vector.shape_cast %get3A_15 : vector<1x1x8x128xf32> to vector<8x128xf32>
    %slice3A = vector.extract_strided_slice %get3A_4 {offsets = [0, 64], sizes = [256, 16], strides = [1, 1]} : vector<256x128xf32> to vector<256x16xf32>
    %slice3A_17 = vector.extract_strided_slice %get3A_10 {offsets = [0, 64], sizes = [8, 16], strides = [1, 1]} : vector<8x128xf32> to vector<8x16xf32>
    %slice3A_18 = vector.extract_strided_slice %get3A_16 {offsets = [0, 64], sizes = [8, 16], strides = [1, 1]} : vector<8x128xf32> to vector<8x16xf32>
    %concatenate3A = tpu.concatenate %slice3A_17, %slice3A, %slice3A_18 in 0 : vector<8x16xf32>, vector<256x16xf32>, vector<8x16xf32> -> vector<272x16xf32>
    %slice3A_19 = vector.extract_strided_slice %get3A_10 {offsets = [0, 0], sizes = [8, 64], strides = [1, 1]} : vector<8x128xf32> to vector<8x64xf32>
    %slice3A_20 = vector.extract_strided_slice %get3A_4 {offsets = [0, 0], sizes = [256, 64], strides = [1, 1]} : vector<256x128xf32> to vector<256x64xf32>
    %slice3A_21 = vector.extract_strided_slice %get3A_16 {offsets = [0, 0], sizes = [8, 64], strides = [1, 1]} : vector<8x128xf32> to vector<8x64xf32>
    %concatenate3A_22 = tpu.concatenate %slice3A_19, %slice3A_20, %slice3A_21 in 0 : vector<8x64xf32>, vector<256x64xf32>, vector<8x64xf32> -> vector<272x64xf32>
    %mul3A = arith.mulf %concatenate3A, %concatenate3A : vector<272x16xf32>
    %reduce_sum3A = arith.constant dense<0.000000e+00> : vector<272xf32>
    %reduce_sum3A_23 = vector.multi_reduction <add>, %mul3A, %reduce_sum3A [1] : vector<272x16xf32> to vector<272xf32>
    %broadcast_in_dim3A = vector.shape_cast %reduce_sum3A_23 : vector<272xf32> to vector<272x1xf32>
    %sqrt3A = math.sqrt %broadcast_in_dim3A : vector<272x1xf32>
    %max3A = arith.constant 5.000000e-05 : f32
    %max3A_24 = vector.broadcast %max3A : f32 to vector<272x1xf32>
    %max3A_25 = arith.maximumf %sqrt3A, %max3A_24 : vector<272x1xf32>
    %div3A = vector.broadcast %max3A_25 : vector<272x1xf32> to vector<272x16xf32>
    %div3A_26 = arith.divf %concatenate3A, %div3A : vector<272x16xf32>
    %dot_general3A = arith.constant dense<0.000000e+00> : vector<256x272xf32>
    %dot_general3A_27 = tpu.matmul %slice3A, %div3A_26, %dot_general3A {dimension_numbers = #tpu.dot_dimension_numbers<[1], [1], [0], [0], [0, 0, 1, 0], [], []>, transpose_lhs_hint = false} : vector<256x16xf32>, vector<272x16xf32>, vector<256x272xf32> -> vector<256x272xf32>
    %iota3A = tpu.iota {dimensions = array<i32: 0>} : vector<256x272xi32>
    %jit3A = arith.constant 8 : i32
    %div3A_28 = vector.broadcast %jit3A : i32 to vector<256x272xi32>
    %div3A_29 = arith.divsi %iota3A, %div3A_28 : vector<256x272xi32>
    %sign3A = arith.constant 0 : i32
    %sign3A_30 = vector.broadcast %sign3A : i32 to vector<256x272xi32>
    %sign3A_31 = arith.cmpi sgt, %iota3A, %sign3A_30 : vector<256x272xi32>
    %sign3A_32 = arith.extui %sign3A_31 : vector<256x272xi1> to vector<256x272xi32>
    %sign3A_33 = arith.constant 0 : i32
    %sign3A_34 = vector.broadcast %sign3A_33 : i32 to vector<256x272xi32>
    %sign3A_35 = arith.cmpi slt, %iota3A, %sign3A_34 : vector<256x272xi32>
    %sign3A_36 = arith.extui %sign3A_35 : vector<256x272xi1> to vector<256x272xi32>
    %sign3A_37 = arith.subi %sign3A_32, %sign3A_36 : vector<256x272xi32>
    %sign3A_38 = arith.constant 0 : i32
    %sign3A_39 = arith.cmpi sgt, %jit3A, %sign3A_38 : i32
    %sign3A_40 = arith.extui %sign3A_39 : i1 to i32
    %sign3A_41 = arith.constant 0 : i32
    %sign3A_42 = arith.cmpi slt, %jit3A, %sign3A_41 : i32
    %sign3A_43 = arith.extui %sign3A_42 : i1 to i32
    %sign3A_44 = arith.subi %sign3A_40, %sign3A_43 : i32
    %ne3A = vector.broadcast %sign3A_44 : i32 to vector<256x272xi32>
    %ne3A_45 = arith.cmpi ne, %sign3A_37, %ne3A : vector<256x272xi32>
    %rem3A = vector.broadcast %jit3A : i32 to vector<256x272xi32>
    %rem3A_46 = arith.remsi %iota3A, %rem3A : vector<256x272xi32>
    %ne3A_47 = arith.constant 0 : i32
    %ne3A_48 = vector.broadcast %ne3A_47 : i32 to vector<256x272xi32>
    %ne3A_49 = arith.cmpi ne, %rem3A_46, %ne3A_48 : vector<256x272xi32>
    %and3A = arith.andi %ne3A_45, %ne3A_49 : vector<256x272xi1>
    %sub3A = arith.constant 1 : i32
    %sub3A_50 = vector.broadcast %sub3A : i32 to vector<256x272xi32>
    %sub3A_51 = arith.subi %div3A_29, %sub3A_50 : vector<256x272xi32>
    %select_n3A = arith.select %and3A, %sub3A_51, %div3A_29 : vector<256x272xi1>, vector<256x272xi32>
    %iota3A_52 = tpu.iota {dimensions = array<i32: 1>} : vector<256x272xi32>
    %jit3A_53 = arith.constant 8 : i32
    %div3A_54 = vector.broadcast %jit3A_53 : i32 to vector<256x272xi32>
    %div3A_55 = arith.divsi %iota3A_52, %div3A_54 : vector<256x272xi32>
    %sign3A_56 = arith.constant 0 : i32
    %sign3A_57 = vector.broadcast %sign3A_56 : i32 to vector<256x272xi32>
    %sign3A_58 = arith.cmpi sgt, %iota3A_52, %sign3A_57 : vector<256x272xi32>
    %sign3A_59 = arith.extui %sign3A_58 : vector<256x272xi1> to vector<256x272xi32>
    %sign3A_60 = arith.constant 0 : i32
    %sign3A_61 = vector.broadcast %sign3A_60 : i32 to vector<256x272xi32>
    %sign3A_62 = arith.cmpi slt, %iota3A_52, %sign3A_61 : vector<256x272xi32>
    %sign3A_63 = arith.extui %sign3A_62 : vector<256x272xi1> to vector<256x272xi32>
    %sign3A_64 = arith.subi %sign3A_59, %sign3A_63 : vector<256x272xi32>
    %sign3A_65 = arith.constant 0 : i32
    %sign3A_66 = arith.cmpi sgt, %jit3A_53, %sign3A_65 : i32
    %sign3A_67 = arith.extui %sign3A_66 : i1 to i32
    %sign3A_68 = arith.constant 0 : i32
    %sign3A_69 = arith.cmpi slt, %jit3A_53, %sign3A_68 : i32
    %sign3A_70 = arith.extui %sign3A_69 : i1 to i32
    %sign3A_71 = arith.subi %sign3A_67, %sign3A_70 : i32
    %ne3A_72 = vector.broadcast %sign3A_71 : i32 to vector<256x272xi32>
    %ne3A_73 = arith.cmpi ne, %sign3A_64, %ne3A_72 : vector<256x272xi32>
    %rem3A_74 = vector.broadcast %jit3A_53 : i32 to vector<256x272xi32>
    %rem3A_75 = arith.remsi %iota3A_52, %rem3A_74 : vector<256x272xi32>
    %ne3A_76 = arith.constant 0 : i32
    %ne3A_77 = vector.broadcast %ne3A_76 : i32 to vector<256x272xi32>
    %ne3A_78 = arith.cmpi ne, %rem3A_75, %ne3A_77 : vector<256x272xi32>
    %and3A_79 = arith.andi %ne3A_73, %ne3A_78 : vector<256x272xi1>
    %sub3A_80 = arith.constant 1 : i32
    %sub3A_81 = vector.broadcast %sub3A_80 : i32 to vector<256x272xi32>
    %sub3A_82 = arith.subi %div3A_55, %sub3A_81 : vector<256x272xi32>
    %select_n3A_83 = arith.select %and3A_79, %sub3A_82, %div3A_55 : vector<256x272xi1>, vector<256x272xi32>
    %sub3A_84 = arith.constant 1 : i32
    %sub3A_85 = vector.broadcast %sub3A_84 : i32 to vector<256x272xi32>
    %sub3A_86 = arith.subi %select_n3A_83, %sub3A_85 : vector<256x272xi32>
    %sub3A_87 = arith.subi %select_n3A, %sub3A_86 : vector<256x272xi32>
    %abs3A = math.absi %sub3A_87 : vector<256x272xi32>
    %le3A = arith.constant 1 : i32
    %le3A_88 = vector.broadcast %le3A : i32 to vector<256x272xi32>
    %le3A_89 = arith.cmpi sle, %abs3A, %le3A_88 : vector<256x272xi32>
    %jit3A_90 = arith.constant -1.000000e+30 : f32
    %broadcast_in_dim3A_91 = vector.broadcast %jit3A_90 : f32 to vector<256x272xf32>
    %select_n3A_92 = arith.select %le3A_89, %dot_general3A_27, %broadcast_in_dim3A_91 : vector<256x272xi1>, vector<256x272xf32>
    %reduce_max3A = arith.constant dense<0xFF800000> : vector<256xf32>
    %reduce_max3A_93 = vector.multi_reduction <maximumf>, %select_n3A_92, %reduce_max3A [1] : vector<256x272xf32> to vector<256xf32>
    %broadcast_in_dim3A_94 = vector.shape_cast %reduce_max3A_93 : vector<256xf32> to vector<256x1xf32>
    %sub3A_95 = vector.broadcast %broadcast_in_dim3A_94 : vector<256x1xf32> to vector<256x272xf32>
    %sub3A_96 = arith.subf %select_n3A_92, %sub3A_95 : vector<256x272xf32>
    %exp3A = math.exp %sub3A_96 : vector<256x272xf32>
    %reduce_sum3A_97 = arith.constant dense<0.000000e+00> : vector<256xf32>
    %reduce_sum3A_98 = vector.multi_reduction <add>, %exp3A, %reduce_sum3A_97 [1] : vector<256x272xf32> to vector<256xf32>
    %broadcast_in_dim3A_99 = vector.shape_cast %reduce_sum3A_98 : vector<256xf32> to vector<256x1xf32>
    %dot_general3A_100 = arith.constant dense<0.000000e+00> : vector<256x64xf32>
    %dot_general3A_101 = tpu.matmul %exp3A, %concatenate3A_22, %dot_general3A_100 {dimension_numbers = #tpu.dot_dimension_numbers<[1], [0], [0], [1], [0, 0, 1, 1], [], []>, transpose_lhs_hint = false} : vector<256x272xf32>, vector<272x64xf32>, vector<256x64xf32> -> vector<256x64xf32>
    %div3A_102 = arith.constant 1.000000e+00 : f32
    %div3A_103 = vector.broadcast %div3A_102 : f32 to vector<256x1xf32>
    %div3A_104 = arith.divf %div3A_103, %broadcast_in_dim3A_99 : vector<256x1xf32>
    %mul3A_105 = vector.broadcast %div3A_104 : vector<256x1xf32> to vector<256x64xf32>
    %mul3A_106 = arith.mulf %dot_general3A_101, %mul3A_105 : vector<256x64xf32>
    %broadcast_in_dim3A_107 = arith.constant 0.000000e+00 : f32
    %broadcast_in_dim3A_108 = vector.broadcast %broadcast_in_dim3A_107 : f32 to vector<256x64xf32>
    %concatenate3A_109 = tpu.concatenate %mul3A_106, %broadcast_in_dim3A_108 in 1 : vector<256x64xf32>, vector<256x64xf32> -> vector<256x128xf32>
    %swap3A = arith.constant 0 : index
    %swap3A_110 = arith.constant 0 : index
    %swap3A_111 = arith.constant 0 : index
    %swap3A_112 = arith.constant 0 : index
    %swap3A_113 = vector.load %arg5[%swap3A, %swap3A_110, %swap3A_111, %swap3A_112] : memref<1x1x256x128xf32, #tpu.memory_space<vmem>>, vector<1x1x256x128xf32>
    %swap3A_114 = vector.shape_cast %swap3A_113 : vector<1x1x256x128xf32> to vector<256x128xf32>
    %swap3A_115 = vector.shape_cast %concatenate3A_109 : vector<256x128xf32> to vector<1x1x256x128xf32>
    tpu.vector_store %arg5[%swap3A, %swap3A_110, %swap3A_111, %swap3A_112], %swap3A_115 {strides = array<i32>} : memref<1x1x256x128xf32, #tpu.memory_space<vmem>>, vector<1x1x256x128xf32>,
    %log3A = math.log %broadcast_in_dim3A_99 : vector<256x1xf32>
    %add3A = arith.addf %broadcast_in_dim3A_94, %log3A : vector<256x1xf32>
    %swap3A_116 = arith.constant 0 : index
    %swap3A_117 = arith.constant 0 : index
    %swap3A_118 = arith.constant 0 : index
    %swap3A_119 = arith.constant 0 : index
    %swap3A_120 = vector.load %arg6[%swap3A_116, %swap3A_117, %swap3A_118, %swap3A_119] : memref<1x1x256x1xf32, #tpu.memory_space<vmem>>, vector<1x1x256x1xf32>
    %swap3A_121 = vector.shape_cast %swap3A_120 : vector<1x1x256x1xf32> to vector<256x1xf32>
    %swap3A_122 = vector.shape_cast %add3A : vector<256x1xf32> to vector<1x1x256x1xf32>
    tpu.vector_store %arg6[%swap3A_116, %swap3A_117, %swap3A_118, %swap3A_119], %swap3A_122 {strides = array<i32>} : memref<1x1x256x1xf32, #tpu.memory_space<vmem>>, vector<1x1x256x1xf32>,
    return
  }
  func.func @transform_0(%arg0: i32, %arg1: i32) -> (i32, i32, i32, i32) {
    %c0_i32 = arith.constant 0 : i32
    %c0_i32_0 = arith.constant 0 : i32
    %c0_i32_1 = arith.constant 0 : i32
    return %arg0, %arg1, %c0_i32, %c0_i32_0 : i32, i32, i32, i32
  }
  func.func @transform_1(%arg0: i32, %arg1: i32) -> (i32, i32, i32, i32) {
    %mul3A = arith.constant 32 : i32
    %mul3A_0 = arith.muli %arg1, %mul3A : i32
    %sub3A = arith.constant 1 : i32
    %sub3A_1 = arith.subi %mul3A_0, %sub3A : i32
    %jit3A = arith.constant 1024 : i32
    %eq3A = arith.constant 0 : i32
    %eq3A_2 = arith.cmpi eq, %jit3A, %eq3A : i32
    %jit3A_3 = arith.constant 1 : i32
    %select_n3A = arith.select %eq3A_2, %jit3A_3, %jit3A : i32
    %rem3A = arith.remsi %sub3A_1, %select_n3A : i32
    %ne3A = arith.constant 0 : i32
    %ne3A_4 = arith.cmpi ne, %rem3A, %ne3A : i32
    %lt3A = arith.constant 0 : i32
    %lt3A_5 = arith.cmpi slt, %rem3A, %lt3A : i32
    %lt3A_6 = arith.constant 0 : i32
    %lt3A_7 = arith.cmpi slt, %select_n3A, %lt3A_6 : i32
    %ne3A_8 = arith.xori %lt3A_5, %lt3A_7 : i1
    %and3A = arith.andi %ne3A_8, %ne3A_4 : i1
    %add3A = arith.addi %rem3A, %select_n3A : i32
    %select_n3A_9 = arith.select %and3A, %add3A, %rem3A : i32
    %c0_i32 = arith.constant 0 : i32
    %c0_i32_10 = arith.constant 0 : i32
    %c0_i32_11 = arith.constant 0 : i32
    return %arg0, %select_n3A_9, %c0_i32, %c0_i32_10 : i32, i32, i32, i32
  }
  func.func @transform_2(%arg0: i32, %arg1: i32) -> (i32, i32, i32, i32) {
    %mul3A = arith.constant 32 : i32
    %mul3A_0 = arith.muli %arg1, %mul3A : i32
    %add3A = arith.constant 32 : i32
    %add3A_1 = arith.addi %mul3A_0, %add3A : i32
    %jit3A = arith.constant 1024 : i32
    %eq3A = arith.constant 0 : i32
    %eq3A_2 = arith.cmpi eq, %jit3A, %eq3A : i32
    %jit3A_3 = arith.constant 1 : i32
    %select_n3A = arith.select %eq3A_2, %jit3A_3, %jit3A : i32
    %rem3A = arith.remsi %add3A_1, %select_n3A : i32
    %ne3A = arith.constant 0 : i32
    %ne3A_4 = arith.cmpi ne, %rem3A, %ne3A : i32
    %lt3A = arith.constant 0 : i32
    %lt3A_5 = arith.cmpi slt, %rem3A, %lt3A : i32
    %lt3A_6 = arith.constant 0 : i32
    %lt3A_7 = arith.cmpi slt, %select_n3A, %lt3A_6 : i32
    %ne3A_8 = arith.xori %lt3A_5, %lt3A_7 : i1
    %and3A = arith.andi %ne3A_8, %ne3A_4 : i1
    %add3A_9 = arith.addi %rem3A, %select_n3A : i32
    %select_n3A_10 = arith.select %and3A, %add3A_9, %rem3A : i32
    %c0_i32 = arith.constant 0 : i32
    %c0_i32_11 = arith.constant 0 : i32
    %c0_i32_12 = arith.constant 0 : i32
    return %arg0, %select_n3A_10, %c0_i32, %c0_i32_11 : i32, i32, i32, i32
  }
  func.func @transform_3(%arg0: i32, %arg1: i32) -> (i32, i32, i32, i32) {
    %c0_i32 = arith.constant 0 : i32
    %c0_i32_0 = arith.constant 0 : i32
    %c0_i32_1 = arith.constant 0 : i32
    return %arg0, %arg1, %c0_i32, %c0_i32_0 : i32, i32, i32, i32
  }
  func.func @transform_4(%arg0: i32, %arg1: i32) -> (i32, i32, i32, i32) {
    %c0_i32 = arith.constant 0 : i32
    %c0_i32_0 = arith.constant 0 : i32
    %c0_i32_1 = arith.constant 0 : i32
    return %arg0, %arg1, %c0_i32, %c0_i32_0 : i32, i32, i32, i32
  }
}

module attributes {stable_mosaic.version = 14 : i64} {
  func.func @_combine_body(%arg0: i32, %arg1: i32, %arg2: memref<1x4x2048x128xf32, #tpu.memory_space<vmem>>, %arg3: memref<1x4x2048x1xf32, #tpu.memory_space<vmem>>, %arg4: memref<1x2048x64xf32, #tpu.memory_space<vmem>>, %arg5: memref<8x128xf32, #tpu.memory_space<vmem>>) attributes {dimension_semantics = [#tpu.dimension_semantics<arbitrary>, #tpu.dimension_semantics<arbitrary>], iteration_bounds = array<i64: 4, 4>, scalar_prefetch = 0 : i64, scratch_operands = 0 : i64, tpu.core_type = #tpu.core_type<tc>, window_params = [{transform_indices = @transform_0, window_bounds = array<i64: 1, 4, 2048, 128>}, {transform_indices = @transform_1, window_bounds = array<i64: 1, 4, 2048, 1>}, {transform_indices = @transform_2, window_bounds = array<i64: 1, 2048, 64>}, {pipeline_mode = #tpu.pipeline_mode<synchronous>, transform_indices = @transform_3, window_bounds = array<i64: 8, 128>}]} {
    %get3A = arith.constant 0 : index
    %get3A_0 = arith.constant 0 : index
    %get3A_1 = arith.constant 0 : index
    %get3A_2 = arith.constant 0 : index
    %get3A_3 = vector.load %arg3[%get3A, %get3A_0, %get3A_1, %get3A_2] : memref<1x4x2048x1xf32, #tpu.memory_space<vmem>>, vector<1x4x2048x1xf32>
    %get3A_4 = vector.shape_cast %get3A_3 : vector<1x4x2048x1xf32> to vector<4x2048x1xf32>
    %reduce_max3A = arith.constant dense<0xFF800000> : vector<2048x1xf32>
    %reduce_max3A_5 = vector.multi_reduction <maximumf>, %get3A_4, %reduce_max3A [0] : vector<4x2048x1xf32> to vector<2048x1xf32>
    %broadcast_in_dim3A = vector.shape_cast %reduce_max3A_5 : vector<2048x1xf32> to vector<1x2048x1xf32>
    %sub3A = vector.broadcast %broadcast_in_dim3A : vector<1x2048x1xf32> to vector<4x2048x1xf32>
    %sub3A_6 = arith.subf %get3A_4, %sub3A : vector<4x2048x1xf32>
    %exp3A = math.exp %sub3A_6 : vector<4x2048x1xf32>
    %reduce_sum3A = arith.constant dense<0.000000e+00> : vector<2048x1xf32>
    %reduce_sum3A_7 = vector.multi_reduction <add>, %exp3A, %reduce_sum3A [0] : vector<4x2048x1xf32> to vector<2048x1xf32>
    %broadcast_in_dim3A_8 = vector.shape_cast %reduce_sum3A_7 : vector<2048x1xf32> to vector<1x2048x1xf32>
    %div3A = vector.broadcast %broadcast_in_dim3A_8 : vector<1x2048x1xf32> to vector<4x2048x1xf32>
    %div3A_9 = arith.divf %exp3A, %div3A : vector<4x2048x1xf32>
    %get3A_10 = arith.constant 0 : index
    %get3A_11 = arith.constant 0 : index
    %get3A_12 = arith.constant 0 : index
    %get3A_13 = arith.constant 0 : index
    %get3A_14 = vector.load %arg2[%get3A_10, %get3A_11, %get3A_12, %get3A_13] : memref<1x4x2048x128xf32, #tpu.memory_space<vmem>>, vector<1x4x2048x128xf32>
    %get3A_15 = vector.shape_cast %get3A_14 : vector<1x4x2048x128xf32> to vector<4x2048x128xf32>
    %slice3A = vector.extract_strided_slice %get3A_15 {offsets = [0, 0, 0], sizes = [4, 2048, 64], strides = [1, 1, 1]} : vector<4x2048x128xf32> to vector<4x2048x64xf32>
    %mul3A = vector.broadcast %div3A_9 : vector<4x2048x1xf32> to vector<4x2048x64xf32>
    %mul3A_16 = arith.mulf %slice3A, %mul3A : vector<4x2048x64xf32>
    %reduce_sum3A_17 = arith.constant dense<0.000000e+00> : vector<2048x64xf32>
    %reduce_sum3A_18 = vector.multi_reduction <add>, %mul3A_16, %reduce_sum3A_17 [0] : vector<4x2048x64xf32> to vector<2048x64xf32>
    %swap3A = arith.constant 0 : index
    %swap3A_19 = arith.constant 0 : index
    %swap3A_20 = arith.constant 0 : index
    %swap3A_21 = vector.load %arg4[%swap3A, %swap3A_19, %swap3A_20] : memref<1x2048x64xf32, #tpu.memory_space<vmem>>, vector<1x2048x64xf32>
    %swap3A_22 = vector.shape_cast %swap3A_21 : vector<1x2048x64xf32> to vector<2048x64xf32>
    %swap3A_23 = vector.shape_cast %reduce_sum3A_18 : vector<2048x64xf32> to vector<1x2048x64xf32>
    tpu.vector_store %arg4[%swap3A, %swap3A_19, %swap3A_20], %swap3A_23 {strides = array<i32>} : memref<1x2048x64xf32, #tpu.memory_space<vmem>>, vector<1x2048x64xf32>,
    %reduce_sum3A_24 = arith.constant dense<0.000000e+00> : vector<64xf32>
    %reduce_sum3A_25 = vector.multi_reduction <add>, %reduce_sum3A_18, %reduce_sum3A_24 [0] : vector<2048x64xf32> to vector<64xf32>
    %broadcast_in_dim3A_26 = vector.shape_cast %reduce_sum3A_25 : vector<64xf32> to vector<1x64xf32>
    %mul3A_27 = arith.mulf %reduce_sum3A_18, %reduce_sum3A_18 : vector<2048x64xf32>
    %reduce_sum3A_28 = arith.constant dense<0.000000e+00> : vector<64xf32>
    %reduce_sum3A_29 = vector.multi_reduction <add>, %mul3A_27, %reduce_sum3A_28 [0] : vector<2048x64xf32> to vector<64xf32>
    %broadcast_in_dim3A_30 = vector.shape_cast %reduce_sum3A_29 : vector<64xf32> to vector<1x64xf32>
    %broadcast_in_dim3A_31 = arith.constant 0.000000e+00 : f32
    %broadcast_in_dim3A_32 = vector.broadcast %broadcast_in_dim3A_31 : f32 to vector<1x64xf32>
    %concatenate3A = tpu.concatenate %broadcast_in_dim3A_26, %broadcast_in_dim3A_32 in 1 : vector<1x64xf32>, vector<1x64xf32> -> vector<1x128xf32>
    %concatenate3A_33 = tpu.concatenate %broadcast_in_dim3A_30, %broadcast_in_dim3A_32 in 1 : vector<1x64xf32>, vector<1x64xf32> -> vector<1x128xf32>
    %broadcast_in_dim3A_34 = arith.constant 0.000000e+00 : f32
    %broadcast_in_dim3A_35 = vector.broadcast %broadcast_in_dim3A_34 : f32 to vector<6x128xf32>
    %concatenate3A_36 = tpu.concatenate %concatenate3A, %concatenate3A_33, %broadcast_in_dim3A_35 in 0 : vector<1x128xf32>, vector<1x128xf32>, vector<6x128xf32> -> vector<8x128xf32>
    %eq3A = arith.constant 0 : i32
    %eq3A_37 = arith.cmpi eq, %arg0, %eq3A : i32
    %eq3A_38 = arith.constant 0 : i32
    %eq3A_39 = arith.cmpi eq, %arg1, %eq3A_38 : i32
    %and3A = arith.andi %eq3A_37, %eq3A_39 : i1
    %convert_element_type3A = arith.extui %and3A : i1 to i32
    %cond3A = arith.constant 0 : i32
    %cond3A_40 = arith.cmpi ne, %convert_element_type3A, %cond3A : i32
    scf.if %cond3A_40 {
      %swap3A_45 = arith.constant 0 : index
      %swap3A_46 = arith.constant 0 : index
      %swap3A_47 = vector.load %arg5[%swap3A_45, %swap3A_46] : memref<8x128xf32, #tpu.memory_space<vmem>>, vector<8x128xf32>
      tpu.vector_store %arg5[%swap3A_45, %swap3A_46], %concatenate3A_36 {strides = array<i32>} : memref<8x128xf32, #tpu.memory_space<vmem>>, vector<8x128xf32>,
    } else {
    }
    %not3A = arith.constant true
    %not3A_41 = arith.xori %and3A, %not3A : i1
    %convert_element_type3A_42 = arith.extui %not3A_41 : i1 to i32
    %cond3A_43 = arith.constant 0 : i32
    %cond3A_44 = arith.cmpi ne, %convert_element_type3A_42, %cond3A_43 : i32
    scf.if %cond3A_44 {
      %get3A_45 = arith.constant 0 : index
      %get3A_46 = arith.constant 0 : index
      %get3A_47 = vector.load %arg5[%get3A_45, %get3A_46] : memref<8x128xf32, #tpu.memory_space<vmem>>, vector<8x128xf32>
      %add3A = arith.addf %get3A_47, %concatenate3A_36 : vector<8x128xf32>
      %swap3A_48 = arith.constant 0 : index
      %swap3A_49 = arith.constant 0 : index
      %swap3A_50 = vector.load %arg5[%swap3A_48, %swap3A_49] : memref<8x128xf32, #tpu.memory_space<vmem>>, vector<8x128xf32>
      tpu.vector_store %arg5[%swap3A_48, %swap3A_49], %add3A {strides = array<i32>} : memref<8x128xf32, #tpu.memory_space<vmem>>, vector<8x128xf32>,
    } else {
    }
    return
  }
  func.func @transform_0(%arg0: i32, %arg1: i32) -> (i32, i32, i32, i32) {
    %c0_i32 = arith.constant 0 : i32
    %c0_i32_0 = arith.constant 0 : i32
    %c0_i32_1 = arith.constant 0 : i32
    return %arg0, %c0_i32, %arg1, %c0_i32_0 : i32, i32, i32, i32
  }
  func.func @transform_1(%arg0: i32, %arg1: i32) -> (i32, i32, i32, i32) {
    %c0_i32 = arith.constant 0 : i32
    %c0_i32_0 = arith.constant 0 : i32
    %c0_i32_1 = arith.constant 0 : i32
    return %arg0, %c0_i32, %arg1, %c0_i32_0 : i32, i32, i32, i32
  }
  func.func @transform_2(%arg0: i32, %arg1: i32) -> (i32, i32, i32) {
    %c0_i32 = arith.constant 0 : i32
    %c0_i32_0 = arith.constant 0 : i32
    return %arg0, %arg1, %c0_i32 : i32, i32, i32
  }
  func.func @transform_3(%arg0: i32, %arg1: i32) -> (i32, i32) {
    %c0_i32 = arith.constant 0 : i32
    %c0_i32_0 = arith.constant 0 : i32
    %c0_i32_1 = arith.constant 0 : i32
    return %c0_i32, %c0_i32_0 : i32, i32
  }
}

module attributes {stable_mosaic.version = 14 : i64} {
  func.func @_final_body(%arg0: i32, %arg1: i32, %arg2: memref<1x2048x64xf32, #tpu.memory_space<vmem>>, %arg3: memref<1x2048x64xf32, #tpu.memory_space<vmem>>, %arg4: memref<8x64xf32, #tpu.memory_space<vmem>>, %arg5: memref<1x2048x64xf32, #tpu.memory_space<vmem>>) attributes {dimension_semantics = [#tpu.dimension_semantics<arbitrary>, #tpu.dimension_semantics<arbitrary>], iteration_bounds = array<i64: 4, 4>, scalar_prefetch = 0 : i64, scratch_operands = 0 : i64, tpu.core_type = #tpu.core_type<tc>, window_params = [{transform_indices = @transform_0, window_bounds = array<i64: 1, 2048, 64>}, {transform_indices = @transform_1, window_bounds = array<i64: 1, 2048, 64>}, {pipeline_mode = #tpu.pipeline_mode<synchronous>, transform_indices = @transform_2, window_bounds = array<i64: 8, 64>}, {transform_indices = @transform_3, window_bounds = array<i64: 1, 2048, 64>}]} {
    %get3A = arith.constant 0 : index
    %get3A_0 = arith.constant 0 : index
    %get3A_1 = vector.load %arg4[%get3A, %get3A_0] : memref<8x64xf32, #tpu.memory_space<vmem>>, vector<1x64xf32>
    %get3A_2 = arith.constant 1 : index
    %get3A_3 = arith.constant 0 : index
    %get3A_4 = vector.load %arg4[%get3A_2, %get3A_3] : memref<8x64xf32, #tpu.memory_space<vmem>>, vector<1x64xf32>
    %get3A_5 = arith.constant 0 : index
    %get3A_6 = arith.constant 0 : index
    %get3A_7 = arith.constant 0 : index
    %get3A_8 = vector.load %arg2[%get3A_5, %get3A_6, %get3A_7] : memref<1x2048x64xf32, #tpu.memory_space<vmem>>, vector<1x2048x64xf32>
    %get3A_9 = vector.shape_cast %get3A_8 : vector<1x2048x64xf32> to vector<2048x64xf32>
    %mul3A = vector.broadcast %get3A_1 : vector<1x64xf32> to vector<2048x64xf32>
    %mul3A_10 = arith.mulf %get3A_9, %mul3A : vector<2048x64xf32>
    %add3A = vector.broadcast %get3A_4 : vector<1x64xf32> to vector<2048x64xf32>
    %add3A_11 = arith.addf %mul3A_10, %add3A : vector<2048x64xf32>
    %get3A_12 = arith.constant 0 : index
    %get3A_13 = arith.constant 0 : index
    %get3A_14 = arith.constant 0 : index
    %get3A_15 = vector.load %arg3[%get3A_12, %get3A_13, %get3A_14] : memref<1x2048x64xf32, #tpu.memory_space<vmem>>, vector<1x2048x64xf32>
    %get3A_16 = vector.shape_cast %get3A_15 : vector<1x2048x64xf32> to vector<2048x64xf32>
    %add3A_17 = arith.addf %add3A_11, %get3A_16 : vector<2048x64xf32>
    %swap3A = arith.constant 0 : index
    %swap3A_18 = arith.constant 0 : index
    %swap3A_19 = arith.constant 0 : index
    %swap3A_20 = vector.load %arg5[%swap3A, %swap3A_18, %swap3A_19] : memref<1x2048x64xf32, #tpu.memory_space<vmem>>, vector<1x2048x64xf32>
    %swap3A_21 = vector.shape_cast %swap3A_20 : vector<1x2048x64xf32> to vector<2048x64xf32>
    %swap3A_22 = vector.shape_cast %add3A_17 : vector<2048x64xf32> to vector<1x2048x64xf32>
    tpu.vector_store %arg5[%swap3A, %swap3A_18, %swap3A_19], %swap3A_22 {strides = array<i32>} : memref<1x2048x64xf32, #tpu.memory_space<vmem>>, vector<1x2048x64xf32>,
    return
  }
  func.func @transform_0(%arg0: i32, %arg1: i32) -> (i32, i32, i32) {
    %c0_i32 = arith.constant 0 : i32
    %c0_i32_0 = arith.constant 0 : i32
    return %arg0, %arg1, %c0_i32 : i32, i32, i32
  }
  func.func @transform_1(%arg0: i32, %arg1: i32) -> (i32, i32, i32) {
    %c0_i32 = arith.constant 0 : i32
    %c0_i32_0 = arith.constant 0 : i32
    return %arg0, %arg1, %c0_i32 : i32, i32, i32
  }
  func.func @transform_2(%arg0: i32, %arg1: i32) -> (i32, i32) {
    %c0_i32 = arith.constant 0 : i32
    %c0_i32_0 = arith.constant 0 : i32
    %c0_i32_1 = arith.constant 0 : i32
    return %c0_i32, %c0_i32_0 : i32, i32
  }
  func.func @transform_3(%arg0: i32, %arg1: i32) -> (i32, i32, i32) {
    %c0_i32 = arith.constant 0 : i32
    %c0_i32_0 = arith.constant 0 : i32
    return %arg0, %arg1, %c0_i32 : i32, i32, i32
  }
}

</mosaic_0001>

<sc_bundles>
// kernel: kernel.13.cloned.1.call-start
scs
__scs_entry_jumppad:
0x0: {  	(pc) =	sbr.rel $0x88, $3  }
0x1: {  	(tag) =	ssettag $0x0;
	lr =	simm.s32 $0x1  }
0x2: {  	[smem:$0x3F97] =	sst lr;
	_ =	strace $0xD0000000  }
0x3: {  	_ = 	snop  }
0x4: {  	_ = 	snop  }
0x5: {  	_ = 	snop  }
0x6: {  	_ = 	snop  }
0x7: {  	_ = 	snop  }
__scs_overlays_trampoline_lowered:
0x8: {  	[smem:$0x3FA6] =	sst s0  }
0x9: {  	[smem:$0x3FA7] =	sst s1  }
0xa: {  	[smem:$0x3FA8] =	sst s2  }
0xb: {  	[smem:$0x3FA9] =	sst s3  }
0xc: {  	[smem:$0x3FAA] =	sst s4  }
0xd: {  	[smem:$0x3FAB] =	sst s5  }
0xe: {  	[smem:$0x3FAC] =	sst s6  }
0xf: {  	[smem:$0x3FAD] =	sst s7  }
0x10: {  	[smem:$0x3FAE] =	sst s8  }
0x11: {  	[smem:$0x3FAF] =	sst s9;
	s0 =	simm.s32 @!p0 $0x0  }
0x12: {  	s1 =	sld [smem:$0x3F95];
	s0 =	simm.s32 @p0 $0x1  }
0x13: {  	[smem:$0x3FB0] =	sst s0;
	s0 =	simm.s32 @!p1 $0x0  }
0x14: {  	s2 =	sld [smem:$0x3F94];
	s0 =	simm.s32 @p1 $0x1  }
0x15: {  	[smem:$0x3FB1] =	sst s0;
	s0 =	simm.s32 @!p2 $0x0  }
0x16: {  	s3 =	sld [smem:$0x3FDB];
	s0 =	simm.s32 @p2 $0x1  }
0x17: {  	s4 =	simm.s32 $0x1BF5;
	[smem:$0x3FB3] =	sst s0  }
0x18: {  	s0 =	sld [smem:$0x3F96];
	_ =	swait.ge [sflag:s4], $0x0  }
0x19: {  	s7 =	sld [smem:$0x3F97]  }
0x1a: {  	s8 =	sadd.s32 $0xFFFFE003, lr  }
0x1b: {  	s9 =	sadd.s32 $0xFFFFFEF7, lr;
	s5 =	simm.s32 $0xFFFFFFFF;
	p2 =	slt.u32 s8, $0xFFFFF086  }
0x1c: {  	p1 =	slt.u32 s9, $0xF7A;
	s5 =	simm.s32 @!p2 $0x0  }
0x1d: {  	s5 =	simm.s32 @p1 $0x1;
	p0 =	seq.s32 s7, s2  }
0x1e: {  	s7 =	smul.u32 @!p0 $0xF7A, s2;
	p2 =	seq.s32 @!p0 s5, $0x0  }
0x1f: {  	s9 =	smul.u32 $0xF7A, s1;
	s8 =	simm.s32 @!p0 $0x1BF5;
	p2 =	por !p2, p0  }
0x20: {  	[sflag:s8] =	ssyncset.s32 @!p0 $0xFFFFF086;
	s6 =	sadd.s32 @!p0 s3, s7;
	s7 =	simm.s32 @!p0 $0x108  }
0x21: {  	s3 =	sadd.s32 s3, s9;
	s6 =	sadd.s32 @!p0 $0x88, s6;
	s7 =	simm.s32 @p2 $0x1082  }
0x22: {  	[simem:s7], [sflag:s8] =	dma.local @!p0 [hbm:s6], $0xF7A  }
0x23: {  	s9 =	sor.u32 $0xD0000000, s2;
	s6 =	simm.s32 $0x108;
	_ =	swait.ge @!p0 [sflag:s8], $0x0  }
0x24: {  	s3 =	sadd.s32 $0x88, s3;
	s6 =	simm.s32 @!p1 $0x1082;
	[sflag:s4] =	ssyncset.s32 $0xFFFFF086  }
0x25: {  	[simem:s6], [sflag:s4] =	dma.local [hbm:s3], $0xF7A  }
0x26: {  	[smem:$0x3F97] =	sst s1;
	(tag) =	ssettag s2;
	_ =	strace s9  }
0x27: {  	s1 =	sld [smem:$0x3FA7]  }
0x28: {  	s2 =	sld [smem:$0x3FA8]  }
0x29: {  	s4 =	sld [smem:$0x3FAA]  }
0x2a: {  	p0 =	seq.s32 s5, $0x0;
	s5 =	sld [smem:$0x3FAB]  }
0x2b: {  	s6 =	sld [smem:$0x3FAC]  }
0x2c: {  	s7 =	sld [smem:$0x3FAD]  }
0x2d: {  	s3 =	simm.s32 $0x108;
	s8 =	sld [smem:$0x3FAE]  }
0x2e: {  	s3 =	simm.s32 @!p0 $0x1082;
	s9 =	sld [smem:$0x3FAF]  }
0x2f: {  	lr =	sadd.s32 s0, s3;
	s0 =	sld [smem:$0x3FA6]  }
0x30: {  	s3 =	sld [smem:$0x3FA9]  }
0x31: {  	[smem:$0x3FB2] =	sst s10  }
0x32: {  	s10 =	sld [smem:$0x3FB0];
	_ =	sdelay $0x3  }
0x33: {  	p0 =	seq.s32 s10, $0x1;
	s10 =	sld [smem:$0x3FB2];
	_ =	sdelay $0x3  }
0x34: {  	[smem:$0x3FB2] =	sst s10  }
0x35: {  	s10 =	sld [smem:$0x3FB1];
	_ =	sdelay $0x3  }
0x36: {  	p1 =	seq.s32 s10, $0x1;
	s10 =	sld [smem:$0x3FB2];
	_ =	sdelay $0x3  }
0x37: {  	[smem:$0x3FB2] =	sst s10  }
0x38: {  	s10 =	sld [smem:$0x3FB3]  }
0x39: {  	_ = 	snop;
	(pc) =	sbr.ind lr, $3  }
0x3a: {  	_ = 	snop  }
0x3b: {  	_ = 	snop  }
0x3c: {  	p2 =	seq.s32 s10, $0x1;
	s10 =	sld [smem:$0x3FB2]  }
0x3d: {  	_ =	shalt  }
0x3e: {  	_ =	shalt  }
0x3f: {  	_ =	shalt  }
0x40: {  	_ =	shalt  }
0x41: {  	_ =	shalt  }
0x42: {  	_ =	shalt  }
0x43: {  	_ =	shalt  }
0x44: {  	_ =	shalt  }
0x45: {  	_ =	shalt  }
0x46: {  	_ =	shalt  }
0x47: {  	_ =	shalt  }
0x48: {  	_ =	shalt  }
0x49: {  	_ =	shalt  }
0x4a: {  	_ =	shalt  }
0x4b: {  	_ =	shalt  }
0x4c: {  	_ =	shalt  }
0x4d: {  	_ =	shalt  }
0x4e: {  	_ =	shalt  }
0x4f: {  	_ =	shalt  }
0x50: {  	_ =	shalt  }
0x51: {  	_ =	shalt  }
0x52: {  	_ =	shalt  }
0x53: {  	_ =	shalt  }
0x54: {  	_ =	shalt  }
0x55: {  	_ =	shalt  }
0x56: {  	_ =	shalt  }
0x57: {  	_ =	shalt  }
0x58: {  	_ =	shalt  }
0x59: {  	_ =	shalt  }
0x5a: {  	_ =	shalt  }
0x5b: {  	_ =	shalt  }
0x5c: {  	_ =	shalt  }
0x5d: {  	_ =	shalt  }
0x5e: {  	_ =	shalt  }
0x5f: {  	_ =	shalt  }
0x60: {  	_ =	shalt  }
0x61: {  	_ =	shalt  }
0x62: {  	_ =	shalt  }
0x63: {  	_ =	shalt  }
0x64: {  	_ =	shalt  }
0x65: {  	_ =	shalt  }
0x66: {  	_ =	shalt  }
0x67: {  	_ =	shalt  }
0x68: {  	_ =	shalt  }
0x69: {  	_ =	shalt  }
0x6a: {  	_ =	shalt  }
0x6b: {  	_ =	shalt  }
0x6c: {  	_ =	shalt  }
0x6d: {  	_ =	shalt  }
0x6e: {  	_ =	shalt  }
0x6f: {  	_ =	shalt  }
0x70: {  	_ =	shalt  }
0x71: {  	_ =	shalt  }
0x72: {  	_ =	shalt  }
0x73: {  	_ =	shalt  }
0x74: {  	_ =	shalt  }
0x75: {  	_ =	shalt  }
0x76: {  	_ =	shalt  }
0x77: {  	_ =	shalt  }
0x78: {  	_ =	shalt  }
0x79: {  	_ =	shalt  }
0x7a: {  	_ =	shalt  }
0x7b: {  	_ =	shalt  }
0x7c: {  	_ =	shalt  }
0x7d: {  	_ =	shalt  }
0x7e: {  	_ =	shalt  }
0x7f: {  	_ =	shalt  }
0x80: {  	_ =	shalt  }
0x81: {  	_ =	shalt  }
0x82: {  	_ =	shalt  }
0x83: {  	_ =	shalt  }
0x84: {  	_ =	shalt  }
0x85: {  	_ =	shalt  }
0x86: {  	_ =	shalt  }
0x87: {  	_ =	shalt  }
.Lfunc_end0:
.L_simem_size_0:
called_computation_lowered:
.L_overlay_start_0:
0x88: {  	s2 =	sld [smem:$0x3FD9]  }
0x89: {  	s3 =	sld [smem:$0x3FFE];
	_ =	sdelay $0x1  }
0x8a: {  	s1 =	srdreg.scid  }
0x8b: {  	s0 =	sand.u32 $0x1, s1  }
0x8c: {  	s17 =	sshll.u32 s0, $0xA;
	s2 =	sadd.s32 s3, s2  }
0x8d: {  	s2 =	sadd.s32 s2, s17  }
0x8e: {  	[smem:$0x3FBE] =	sst s2  }
0x8f: {  	_ = 	snop  }
0x90: {  	s2 =	sld [smem:$0x3FD0];
	(tm) =	ssettm $0x1  }
0x91: {  	s18 =	sld [smem:$0x3FFB];
	_ =	sdelay $0x3  }
0x92: {  	_ =	strace s18  }
0x93: {  	s3 =	sld [smem:$0x3FFC];
	_ =	sdelay $0x3  }
0x94: {  	_ =	strace s3  }
0x95: {  	s3 =	sld [smem:$0x3FFD];
	_ =	sdelay $0x3  }
0x96: {  	_ =	strace s3  }
0x97: {  	_ =	strace $0x8FFFFFFF  }
0x98: {  	s19 =	sld [smem:$0x3FDB];
	_ =	sdelay $0x1  }
0x99: {  	s4 =	simm.s32 $_scs_section_size  }
0x9a: {  	s5 =	simm.s32 $_size__tile_overlayer_lowered;
	s6 =	simm.s32 $_tile_overlayer_lowered  }
0x9b: {  	s22 =	simm.s32 $0x1BFF;
	s21 =	sshll.u32 s6, $0x1;
	s3 =	sadd.s32 s4, s19  }
0x9c: {  	s7 =	simm.s32 $0x0;
	s20 =	sshll.u32 s5, $0x1;
	s5 =	sadd.s32 s21, s3  }
0x9d: {  	[timem:s7], [sflag:s22] =	dma.local [hbm:s5], s20  }
0x9e: {  	_ =	swait.ge [sflag:s22], s20  }
0x9f: {  	s4 =	ssub.s32 $0x0, s20;
	[sflag:s22] =	ssyncset.done $0x0  }
0xa0: {  	[sflag:s22] =	ssyncadd.s32 s4;
	_ =	sdelay $0x1  }
0xa1: {  	s23 =	simm.s32 $0x1B8B  }
0xa2: {  	_ =	swait.ge [sflag:s23], $0x1  }
0xa3: {  	[sflag:s23] =	ssyncset.done $0x0  }
0xa4: {  	s25 =	simm.s32 $0x1B8E;
	s24 =	sld [smem:$0x3FFE];
	[sflag:s23] =	ssyncadd.s32 $0xFFFFFFFF  }
0xa5: {  	s26 =	simm.s32 $execute0_lowered;
	[smem:$0x3FD2] =	sst s25  }
0xa6: {  	s5 =	sshll.u32 s26, $0x1;
	_ =	strace $0x80000046;
	[dreg:$0x1] =	wrdreg $0xFFFFFFFF  }
0xa7: {  	s28 =	simm.s32 $_size_execute0_lowered;
	s3 =	sadd.s32 s3, s5;
	[dreg:$0x0] =	wrdreg $0x0  }
0xa8: {  	s5 =	sshll.u32 s28, $0x1;
	[dreg:$0x2] =	wrdreg s3  }
0xa9: {  	[dreg:$0x3] =	wrdreg s5  }
0xaa: {  	[dreg:$0x4] =	wrdreg $0xC0  }
0xab: {  	_ =	task [dreg:s7], $0x5FFFF  }
0xac: {  	[dreg:$0x1] =	wrdreg $0xFFFFFFFF  }
0xad: {  	[dreg:$0x0] =	wrdreg $0x60  }
0xae: {  	[dreg:$0x2] =	wrdreg s2  }
0xaf: {  	[dreg:$0x3] =	wrdreg s24  }
0xb0: {  	[dreg:$0x4] =	wrdreg $0x9  }
0xb1: {  	_ =	task.clear_ibuf [dreg:s7], $0x5FFFF;
	_ =	strace $0x90000046  }
0xb2: {  	s29 =	simm.s32 $0x9;
	_ =	strace $0x80000048  }
0xb3: {  	_ =	swait.ge [sflag:s29], $0x1  }
0xb4: {  	[sflag:s29] =	ssyncadd.s32 $0xFFFFFFFF  }
0xb5: {  	_ =	strace $0x90000048  }
0xb6: {  	_ =	sfence  }
0xb7: {  	s30 =	sld [smem:$0x0];
	_ =	sdelay $0x2  }
0xb8: {  	s31 =	sshll.u32 s1, $0xD;
	s1 =	sshrl.u32 s1, $0x2  }
0xb9: {  	s3 =	sand.u32 $0x4000, s31;
	s1 =	sadd.s32 s1, s30  }
0xba: {  	s0 =	sor.u32 s3, s0;
	s1 =	sshll.u32 s1, $0x11  }
0xbb: {  	s0 =	sor.u32 s1, s0  }
0xbc: {  	s0 =	sadd.s32 $0x8F2B, s0  }
0xbd: {  	[sflag:s0] =	ssyncadd.remote.s32 $0x1  }
0xbe: {  	_ =	sfence.sel $0xFFFF  }
0xbf: {  	[dreg:$0x0] =	wrdreg $0xFFFFFFFF;
	(pc) =	sbr.abs _section_cstart, $3  }
0xc0: {  	[dreg:$0x1] =	wrdreg $0xFFFFFFFF  }
0xc1: {  	_ =	task.clear_ibuf [dreg:s7], $0x2FFFF;
	_ =	strace $0x9FFFFFFF  }
0xc2: {  	(tm) =	ssettm $0x7FFFFFFF  }
0xc3: {  	_ =	shalt  }
tec
execute0_lowered:
.L_overlay_start_1:
0x0: {  	(tag) =	ssettag $0x1  }
0x1: {  	s1 =	stileid.u32  }
0x2: {  	p0 =	sgt.u32 s1, $0x1  }
.Ltmp0:
0x3: {  	_ = 	snop;
	(pc) =	sbr.rel @p0 .LBB2_7-.Ltmp0, $4  }
0x4: {  	s2 =	rddreg [dreg:$0x0]  }
0x5: {  	s4 =	rddreg [dreg:$0x1];
	s3 =	simm.s32 $0x0  }
0x6: {  	[smem:$0x7FF] =	sst s3  }
0x7: {  	s0 =	rddreg [dreg:$0x2];
	_ =	strace $0x80000047  }
0x8: {  	s5 =	srdreg.scid  }
0x9: {  	s6 =	sshll.u32 s1, $0x1;
	s5 =	sand.u32 $0x1, s5  }
0xa: {  	s6 =	sor.u32 s5, s6;
	s5 =	ssub.s32 $0x2, s5  }
0xb: {  	s10 =	simm.s32 $0x0;
	s7 =	sshll.u32 s6, $0xC;
	s8 =	sshrl.u32 s5, $0x1  }
0xc: {  	s9 =	sshll.u32 s6, $0xD;
	s7 =	sadd.s32 s7, s4;
	s4 =	sshll.u32 s6, $0xF  }
0xd: {  	s8 =	ssub.s32 s5, s8;
	v1 =	vmov s9;
	s9 =	simm.s32 $0x0;
	s5 =	sadd.s32 $0x83E00, s7  }
0xe: {  	v2 =	vlaneseq.u32;
	s6 =	smax.u32 s8, $0x1;
	v0 =	vmov s4;
	s7 =	simm.s32 $0x8000;
	s8 =	simm.s32 $0x1  }
.LBB2_2:
0xf: {  	s11 =	simm.s32 $0x0;
	s12 =	simm.s32 $0x0  }
.LBB2_3:
0x10: {  	s13 =	sshll.u32 s12, $0xA  }
0x11: {  	s13 =	sor.u32 s4, s13  }
0x12: {  	s13 =	sshrl.u32 s13, $0x3  }
0x13: {  	s13 =	sadd.s32 s2, s13  }
0x14: {  	[tilespmem:s7], [sflag:$0x1] =	stream.linear.gather [hbm4b:s13+s10], $0x400, $0x38;
	[tilespmem:$0x8400] =	vst v63  }
0x15: {  	_ =	swait.ge [sflag:s8], $0x400  }
0x16: {  	[sflag:s8] =	ssyncset.done $0x0  }
0x17: {  	s31 =	simm.s32 $0x0;
	[sflag:s8] =	ssyncadd.s32 $0xFFFFFC00  }
0x18: {  	v3 =	vld [tilespmem:s31+$0x8000];
	_ =	sdelay $0x4  }
0x19: {  	v4 =	vsub.s32 v3, v0  }
0x1a: {  	v3 =	vand.u32 $0x7F, v3;
	v4 =	vand.u32 $0xFFFFFF80, v4  }
0x1b: {  	v3 =	vor.u32 v3, v4;
	_ =	sdelay $0x1  }
0x1c: {  	v63 =	vor.u32 s11, v2  }
0x1d: {  	v4 =	vand.u32 $0x1FFF, v63  }
0x1e: {  	v4 =	vor.u32 v1, v4  }
0x1f: {  	s15 =	simm.s32 $0x10;
	s14 =	simm.s32 $0x80;
	s13 =	smov.u32 s11;
	[tilespmem:v3+s3+$0x0] =	vst.idx.msk $0xffff, v4  }
.LBB2_4:
0x20: {  	p0 =	sne.s32 s14, $0xFC0;
	v3 =	vld [tilespmem:s15+$0x8000];
	_ =	sdelay $0x4  }
0x21: {  	v4 =	vsub.s32 v3, v0  }
0x22: {  	v3 =	vand.u32 $0x7F, v3;
	v4 =	vand.u32 $0xFFFFFF80, v4  }
0x23: {  	v3 =	vor.u32 v3, v4  }
.Ltmp1:
0x24: {  	s13 =	sadd.s32 $0x10, s13;
	(pc) =	sbr.rel @p0 .LBB2_4-.Ltmp1, $4  }
0x25: {  	v4 =	vor.u32 s13, v2  }
0x26: {  	v4 =	vand.u32 $0x1FFF, v4  }
0x27: {  	v4 =	vor.u32 v1, v4  }
0x28: {  	s15 =	sshra.s32 s14, $0x2;
	s14 =	sadd.s32 $0x40, s14;
	[tilespmem:v3+s3+$0x0] =	vst.idx.msk $0xffff, v4  }
0x29: {  	v3 =	vld [tilespmem:s15+$0x8000];
	_ =	sdelay $0x4  }
0x2a: {  	v4 =	vsub.s32 v3, v0  }
0x2b: {  	s12 =	sadd.s32 $0x1, s12;
	v3 =	vand.u32 $0x7F, v3;
	v4 =	vand.u32 $0xFFFFFF80, v4  }
0x2c: {  	p0 =	sne.s32 s12, $0x20;
	v3 =	vor.u32 v3, v4  }
.Ltmp2:
0x2d: {  	s13 =	sadd.s32 $0x10, s13;
	(pc) =	sbr.rel @p0 .LBB2_3-.Ltmp2, $4  }
0x2e: {  	v63 =	vor.u32 s13, v2  }
0x2f: {  	v4 =	vand.u32 $0x1FFF, v63  }
0x30: {  	v4 =	vor.u32 v1, v4  }
0x31: {  	s11 =	sadd.s32 $0x400, s11;
	[tilespmem:v3+s3+$0x0] =	vst.idx.msk $0xffff, v4  }
0x32: {  	s9 =	sadd.s32 $0x1, s9  }
0x33: {  	p0 =	sne.s32 s9, s6  }
.Ltmp3:
0x34: {  	_ = 	snop;
	(pc) =	sbr.rel @p0 .LBB2_2-.Ltmp3, $4  }
0x35: {  	[hbm4b:s5+s3] =	stream.linear.scatter [tilespmem:s3], [sflag:$0x1], $0x8000, $0x38;
	[tilespmem:$0x8400] =	vst v63  }
0x36: {  	_ =	swait.ge [sflag:s8], $0x8000  }
0x37: {  	[sflag:s8] =	ssyncset.done $0x0  }
0x38: {  	[sflag:s8] =	ssyncadd.s32 $0xFFFF8000  }
.LBB2_7:
0x39: {  	_ =	sfence.sel $0x180000  }
0x3a: {  	[bflag:$0x0] =	sbarrier.arrive $0xFFFF  }
0x3b: {  	p0 =	sne.s32 s1, $0x0;
	_ =	strace $0x90000047  }
0x3c: {  	s0 =	sadd.s32 @!p0 $0x100000, s0;
	[bflag:$0x2] =	sbarrier.arrive $0xFFFF  }
0x3d: {  	[sflag:s0] =	ssyncadd.tile.s32 @!p0 $0x1;
	_ =	shalt  }
.Lfunc_end2:
_tile_overlayer_lowered:
.L_overlay_start_2:
0x3e: {  	(tag) =	ssettag $0x2  }
0x3f: {  	s0 =	rddreg [dreg:$0x0];
	s2 =	stileid.u32  }
0x40: {  	s1 =	rddreg [dreg:$0x1];
	p0 =	sne.s32 s2, $0x0  }
0x41: {  	s3 =	rddreg [dreg:$0x2];
	[bflag:$0x3] =	sbarrier.arrive $0xFFFF;
	s2 =	simm.s32 @!p0 $0x1C01  }
0x42: {  	[timem:s3], [sflag:s2] =	dma.local @!p0 [hbm:s0], s1  }
0x43: {  	s0 =	simm.s32 @!p0 $0x1  }
0x44: {  	_ =	swait.ge @!p0 [sflag:s0], s1  }
0x45: {  	s1 =	ssub.s32 @!p0 $0x0, s1;
	[sflag:s0] =	ssyncset.done @!p0 $0x0  }
0x46: {  	[sflag:s0] =	ssyncadd.s32 @!p0 s1  }
0x47: {  	[bflag:$0x3] =	sbarrier.arrive $0xFFFF  }
0x48: {  	_ =	shalt  }

// kernel: kernel.16.cloned.1.call-start
scs
__scs_entry_jumppad:
0x0: {  	(pc) =	sbr.rel $0x88, $3  }
0x1: {  	(tag) =	ssettag $0x0;
	lr =	simm.s32 $0x1  }
0x2: {  	[smem:$0x3F97] =	sst lr;
	_ =	strace $0xD0000000  }
0x3: {  	_ = 	snop  }
0x4: {  	_ = 	snop  }
0x5: {  	_ = 	snop  }
0x6: {  	_ = 	snop  }
0x7: {  	_ = 	snop  }
__scs_overlays_trampoline_lowered:
0x8: {  	[smem:$0x3FA6] =	sst s0  }
0x9: {  	[smem:$0x3FA7] =	sst s1  }
0xa: {  	[smem:$0x3FA8] =	sst s2  }
0xb: {  	[smem:$0x3FA9] =	sst s3  }
0xc: {  	[smem:$0x3FAA] =	sst s4  }
0xd: {  	[smem:$0x3FAB] =	sst s5  }
0xe: {  	[smem:$0x3FAC] =	sst s6  }
0xf: {  	[smem:$0x3FAD] =	sst s7  }
0x10: {  	[smem:$0x3FAE] =	sst s8  }
0x11: {  	[smem:$0x3FAF] =	sst s9;
	s0 =	simm.s32 @!p0 $0x0  }
0x12: {  	s1 =	sld [smem:$0x3F95];
	s0 =	simm.s32 @p0 $0x1  }
0x13: {  	[smem:$0x3FB0] =	sst s0;
	s0 =	simm.s32 @!p1 $0x0  }
0x14: {  	s2 =	sld [smem:$0x3F94];
	s0 =	simm.s32 @p1 $0x1  }
0x15: {  	[smem:$0x3FB1] =	sst s0;
	s0 =	simm.s32 @!p2 $0x0  }
0x16: {  	s3 =	sld [smem:$0x3FDB];
	s0 =	simm.s32 @p2 $0x1  }
0x17: {  	s4 =	simm.s32 $0x1BF5;
	[smem:$0x3FB3] =	sst s0  }
0x18: {  	s0 =	sld [smem:$0x3F96];
	_ =	swait.ge [sflag:s4], $0x0  }
0x19: {  	s7 =	sld [smem:$0x3F97]  }
0x1a: {  	s8 =	sadd.s32 $0xFFFFE003, lr  }
0x1b: {  	s9 =	sadd.s32 $0xFFFFFEF7, lr;
	s5 =	simm.s32 $0xFFFFFFFF;
	p2 =	slt.u32 s8, $0xFFFFF086  }
0x1c: {  	p1 =	slt.u32 s9, $0xF7A;
	s5 =	simm.s32 @!p2 $0x0  }
0x1d: {  	s5 =	simm.s32 @p1 $0x1;
	p0 =	seq.s32 s7, s2  }
0x1e: {  	s7 =	smul.u32 @!p0 $0xF7A, s2;
	p2 =	seq.s32 @!p0 s5, $0x0  }
0x1f: {  	s9 =	smul.u32 $0xF7A, s1;
	s8 =	simm.s32 @!p0 $0x1BF5;
	p2 =	por !p2, p0  }
0x20: {  	[sflag:s8] =	ssyncset.s32 @!p0 $0xFFFFF086;
	s6 =	sadd.s32 @!p0 s3, s7;
	s7 =	simm.s32 @!p0 $0x108  }
0x21: {  	s3 =	sadd.s32 s3, s9;
	s6 =	sadd.s32 @!p0 $0x88, s6;
	s7 =	simm.s32 @p2 $0x1082  }
0x22: {  	[simem:s7], [sflag:s8] =	dma.local @!p0 [hbm:s6], $0xF7A  }
0x23: {  	s9 =	sor.u32 $0xD0000000, s2;
	s6 =	simm.s32 $0x108;
	_ =	swait.ge @!p0 [sflag:s8], $0x0  }
0x24: {  	s3 =	sadd.s32 $0x88, s3;
	s6 =	simm.s32 @!p1 $0x1082;
	[sflag:s4] =	ssyncset.s32 $0xFFFFF086  }
0x25: {  	[simem:s6], [sflag:s4] =	dma.local [hbm:s3], $0xF7A  }
0x26: {  	[smem:$0x3F97] =	sst s1;
	(tag) =	ssettag s2;
	_ =	strace s9  }
0x27: {  	s1 =	sld [smem:$0x3FA7]  }
0x28: {  	s2 =	sld [smem:$0x3FA8]  }
0x29: {  	s4 =	sld [smem:$0x3FAA]  }
0x2a: {  	p0 =	seq.s32 s5, $0x0;
	s5 =	sld [smem:$0x3FAB]  }
0x2b: {  	s6 =	sld [smem:$0x3FAC]  }
0x2c: {  	s7 =	sld [smem:$0x3FAD]  }
0x2d: {  	s3 =	simm.s32 $0x108;
	s8 =	sld [smem:$0x3FAE]  }
0x2e: {  	s3 =	simm.s32 @!p0 $0x1082;
	s9 =	sld [smem:$0x3FAF]  }
0x2f: {  	lr =	sadd.s32 s0, s3;
	s0 =	sld [smem:$0x3FA6]  }
0x30: {  	s3 =	sld [smem:$0x3FA9]  }
0x31: {  	[smem:$0x3FB2] =	sst s10  }
0x32: {  	s10 =	sld [smem:$0x3FB0];
	_ =	sdelay $0x3  }
0x33: {  	p0 =	seq.s32 s10, $0x1;
	s10 =	sld [smem:$0x3FB2];
	_ =	sdelay $0x3  }
0x34: {  	[smem:$0x3FB2] =	sst s10  }
0x35: {  	s10 =	sld [smem:$0x3FB1];
	_ =	sdelay $0x3  }
0x36: {  	p1 =	seq.s32 s10, $0x1;
	s10 =	sld [smem:$0x3FB2];
	_ =	sdelay $0x3  }
0x37: {  	[smem:$0x3FB2] =	sst s10  }
0x38: {  	s10 =	sld [smem:$0x3FB3]  }
0x39: {  	_ = 	snop;
	(pc) =	sbr.ind lr, $3  }
0x3a: {  	_ = 	snop  }
0x3b: {  	_ = 	snop  }
0x3c: {  	p2 =	seq.s32 s10, $0x1;
	s10 =	sld [smem:$0x3FB2]  }
0x3d: {  	_ =	shalt  }
0x3e: {  	_ =	shalt  }
0x3f: {  	_ =	shalt  }
0x40: {  	_ =	shalt  }
0x41: {  	_ =	shalt  }
0x42: {  	_ =	shalt  }
0x43: {  	_ =	shalt  }
0x44: {  	_ =	shalt  }
0x45: {  	_ =	shalt  }
0x46: {  	_ =	shalt  }
0x47: {  	_ =	shalt  }
0x48: {  	_ =	shalt  }
0x49: {  	_ =	shalt  }
0x4a: {  	_ =	shalt  }
0x4b: {  	_ =	shalt  }
0x4c: {  	_ =	shalt  }
0x4d: {  	_ =	shalt  }
0x4e: {  	_ =	shalt  }
0x4f: {  	_ =	shalt  }
0x50: {  	_ =	shalt  }
0x51: {  	_ =	shalt  }
0x52: {  	_ =	shalt  }
0x53: {  	_ =	shalt  }
0x54: {  	_ =	shalt  }
0x55: {  	_ =	shalt  }
0x56: {  	_ =	shalt  }
0x57: {  	_ =	shalt  }
0x58: {  	_ =	shalt  }
0x59: {  	_ =	shalt  }
0x5a: {  	_ =	shalt  }
0x5b: {  	_ =	shalt  }
0x5c: {  	_ =	shalt  }
0x5d: {  	_ =	shalt  }
0x5e: {  	_ =	shalt  }
0x5f: {  	_ =	shalt  }
0x60: {  	_ =	shalt  }
0x61: {  	_ =	shalt  }
0x62: {  	_ =	shalt  }
0x63: {  	_ =	shalt  }
0x64: {  	_ =	shalt  }
0x65: {  	_ =	shalt  }
0x66: {  	_ =	shalt  }
0x67: {  	_ =	shalt  }
0x68: {  	_ =	shalt  }
0x69: {  	_ =	shalt  }
0x6a: {  	_ =	shalt  }
0x6b: {  	_ =	shalt  }
0x6c: {  	_ =	shalt  }
0x6d: {  	_ =	shalt  }
0x6e: {  	_ =	shalt  }
0x6f: {  	_ =	shalt  }
0x70: {  	_ =	shalt  }
0x71: {  	_ =	shalt  }
0x72: {  	_ =	shalt  }
0x73: {  	_ =	shalt  }
0x74: {  	_ =	shalt  }
0x75: {  	_ =	shalt  }
0x76: {  	_ =	shalt  }
0x77: {  	_ =	shalt  }
0x78: {  	_ =	shalt  }
0x79: {  	_ =	shalt  }
0x7a: {  	_ =	shalt  }
0x7b: {  	_ =	shalt  }
0x7c: {  	_ =	shalt  }
0x7d: {  	_ =	shalt  }
0x7e: {  	_ =	shalt  }
0x7f: {  	_ =	shalt  }
0x80: {  	_ =	shalt  }
0x81: {  	_ =	shalt  }
0x82: {  	_ =	shalt  }
0x83: {  	_ =	shalt  }
0x84: {  	_ =	shalt  }
0x85: {  	_ =	shalt  }
0x86: {  	_ =	shalt  }
0x87: {  	_ =	shalt  }
.Lfunc_end0:
.L_simem_size_0:
called_computation.1_lowered:
.L_overlay_start_0:
0x88: {  	s2 =	sld [smem:$0x3FD9]  }
0x89: {  	s3 =	sld [smem:$0x3FFE];
	_ =	sdelay $0x1  }
0x8a: {  	s1 =	srdreg.scid  }
0x8b: {  	s0 =	sand.u32 $0x1, s1  }
0x8c: {  	s16 =	sshll.u32 s0, $0xA;
	s2 =	sadd.s32 s3, s2  }
0x8d: {  	s2 =	sadd.s32 s2, s16  }
0x8e: {  	[smem:$0x3FBE] =	sst s2  }
0x8f: {  	_ = 	snop  }
0x90: {  	(tm) =	ssettm $0x1  }
0x91: {  	s17 =	sld [smem:$0x3FFB];
	_ =	sdelay $0x3  }
0x92: {  	_ =	strace s17  }
0x93: {  	s2 =	sld [smem:$0x3FFC];
	_ =	sdelay $0x3  }
0x94: {  	_ =	strace s2  }
0x95: {  	s2 =	sld [smem:$0x3FFD];
	_ =	sdelay $0x3  }
0x96: {  	_ =	strace s2  }
0x97: {  	_ =	strace $0x8FFFFFFF  }
0x98: {  	s18 =	sld [smem:$0x3FDB];
	_ =	sdelay $0x1  }
0x99: {  	s19 =	simm.s32 $_scs_section_size  }
0x9a: {  	s4 =	simm.s32 $_size__tile_overlayer_lowered;
	s5 =	simm.s32 $_tile_overlayer_lowered  }
0x9b: {  	s22 =	simm.s32 $0x1BFF;
	s21 =	sshll.u32 s5, $0x1;
	s2 =	sadd.s32 s19, s18  }
0x9c: {  	s6 =	simm.s32 $0x0;
	s20 =	sshll.u32 s4, $0x1;
	s4 =	sadd.s32 s21, s2  }
0x9d: {  	[timem:s6], [sflag:s22] =	dma.local [hbm:s4], s20  }
0x9e: {  	_ =	swait.ge [sflag:s22], s20  }
0x9f: {  	s3 =	ssub.s32 $0x0, s20;
	[sflag:s22] =	ssyncset.done $0x0  }
0xa0: {  	[sflag:s22] =	ssyncadd.s32 s3;
	_ =	sdelay $0x1  }
0xa1: {  	s23 =	simm.s32 $0x1B8B  }
0xa2: {  	_ =	swait.ge [sflag:s23], $0x1  }
0xa3: {  	[sflag:s23] =	ssyncset.done $0x0  }
0xa4: {  	s25 =	simm.s32 $0x1B8E;
	s24 =	sld [smem:$0x3FFE];
	[sflag:s23] =	ssyncadd.s32 $0xFFFFFFFF  }
0xa5: {  	s26 =	simm.s32 $execute0_lowered;
	[smem:$0x3FD2] =	sst s25  }
0xa6: {  	s4 =	sshll.u32 s26, $0x1;
	_ =	strace $0x80000049;
	[dreg:$0x1] =	wrdreg $0xFFFFFFFF  }
0xa7: {  	s28 =	simm.s32 $_size_execute0_lowered;
	s2 =	sadd.s32 s2, s4;
	[dreg:$0x0] =	wrdreg $0x0  }
0xa8: {  	s4 =	sshll.u32 s28, $0x1;
	[dreg:$0x2] =	wrdreg s2  }
0xa9: {  	[dreg:$0x3] =	wrdreg s4  }
0xaa: {  	[dreg:$0x4] =	wrdreg $0xC0  }
0xab: {  	_ =	task [dreg:s6], $0x5FFFF  }
0xac: {  	[dreg:$0x1] =	wrdreg $0xFFFFFFFF  }
0xad: {  	[dreg:$0x0] =	wrdreg $0x60  }
0xae: {  	[dreg:$0x2] =	wrdreg s24  }
0xaf: {  	[dreg:$0x3] =	wrdreg $0x9  }
0xb0: {  	_ =	task.clear_ibuf [dreg:s6], $0x4FFFF;
	_ =	strace $0x90000049  }
0xb1: {  	s29 =	simm.s32 $0x9;
	_ =	strace $0x8000004B  }
0xb2: {  	_ =	swait.ge [sflag:s29], $0x1  }
0xb3: {  	[sflag:s29] =	ssyncadd.s32 $0xFFFFFFFF  }
0xb4: {  	_ =	strace $0x9000004B  }
0xb5: {  	_ =	sfence  }
0xb6: {  	s30 =	sld [smem:$0x0];
	_ =	sdelay $0x2  }
0xb7: {  	s31 =	sshll.u32 s1, $0xD;
	s1 =	sshrl.u32 s1, $0x2  }
0xb8: {  	s3 =	sand.u32 $0x4000, s31;
	s1 =	sadd.s32 s1, s30  }
0xb9: {  	s0 =	sor.u32 s3, s0;
	s1 =	sshll.u32 s1, $0x11  }
0xba: {  	s0 =	sor.u32 s1, s0  }
0xbb: {  	s0 =	sadd.s32 $0x8F2B, s0  }
0xbc: {  	[sflag:s0] =	ssyncadd.remote.s32 $0x1  }
0xbd: {  	_ =	sfence.sel $0xFFFF  }
0xbe: {  	[dreg:$0x0] =	wrdreg $0xFFFFFFFF;
	(pc) =	sbr.abs _section_cstart, $3  }
0xbf: {  	[dreg:$0x1] =	wrdreg $0xFFFFFFFF  }
0xc0: {  	_ =	task.clear_ibuf [dreg:s6], $0x2FFFF;
	_ =	strace $0x9FFFFFFF  }
0xc1: {  	(tm) =	ssettm $0x7FFFFFFF  }
tec
execute0_lowered:
.L_overlay_start_1:
0x0: {  	(tag) =	ssettag $0x1  }
0x1: {  	s4 =	rddreg [dreg:$0x0]  }
0x2: {  	s0 =	rddreg [dreg:$0x1];
	s2 =	simm.s32 $0x0;
	s3 =	srdreg.scid  }
0x3: {  	s1 =	stileid.u32;
	s10 =	simm.s32 $0x0;
	[smem:$0x7FF] =	sst s2  }
0x4: {  	s5 =	sand.u32 $0x1, s3;
	s6 =	sshll.u32 s1, $0xD;
	s3 =	sadd.s32 $0x283E00, s4  }
0x5: {  	s8 =	sshll.u32 s1, $0x11;
	_ =	strace $0x8000004A;
	s7 =	sshll.u32 s5, $0xC  }
0x6: {  	s31 =	ssub.s32 $0x2, s5;
	s8 =	sadd.s32 s8, s4;
	s5 =	sshll.u32 s5, $0x10  }
0x7: {  	s6 =	sor.u32 s7, s6;
	s9 =	sshrl.u32 s31, $0x1;
	s5 =	sadd.s32 s5, s8  }
0x8: {  	s8 =	simm.s32 $0x200;
	s6 =	sshrl.u32 s6, $0x3;
	s7 =	ssub.s32 s31, s9  }
0x9: {  	s5 =	sadd.s32 $0x303E00, s5;
	s9 =	simm.s32 $0x1;
	s6 =	sadd.s32 s6, s4  }
0xa: {  	s4 =	smax.u32 s7, $0x1;
	s7 =	simm.s32 $0x2;
	s6 =	sadd.s32 $0x83E00, s6  }
.LBB2_1:
0xb: {  	s11 =	sadd.s32 $0x0, s6  }
0xc: {  	[tilespmem:s2], [sflag:$0x2] =	stream.linear.gather [hbm4b:s11+s2], $0x200, $0x38;
	[tilespmem:$0x10200] =	vst v63  }
0xd: {  	_ =	swait.ge [sflag:s7], $0x200  }
0xe: {  	[sflag:s7] =	ssyncset.done $0x0  }
0xf: {  	[sflag:s7] =	ssyncadd.s32 $0xFFFFFE00  }
0x10: {  	[tilespmem:s8], [sflag:$0x1] =	stream.indirect.gather [hbm4b:s3+s8], $0x80, s2, s8, $0xb8;
	[tilespmem:$0x10200] =	vst v63  }
0x11: {  	_ =	swait.ge [sflag:s9], $0x10000  }
0x12: {  	[sflag:s9] =	ssyncset.done $0x0  }
0x13: {  	[sflag:s9] =	ssyncadd.s32 $0xFFFF0000  }
0x14: {  	[hbm4b:s5+s2] =	stream.linear.scatter [tilespmem:s8], [sflag:$0x2], $0x10000, $0x38;
	[tilespmem:$0x10200] =	vst v63  }
0x15: {  	s12 =	simm.s32 $0x40;
	_ =	swait.ge [sflag:s7], $0x10000  }
0x16: {  	s13 =	simm.s32 $0x80;
	s11 =	sadd.s32 $0x2000, s5;
	[sflag:s7] =	ssyncset.done $0x0  }
.LBB2_2:
0x17: {  	s14 =	sadd.s32 s12, s6  }
0x18: {  	[sflag:s7] =	ssyncadd.s32 $0xFFFF0000;
	s12 =	smov.u32 s13;
	s15 =	sadd.s32 $0x40, s13  }
0x19: {  	[tilespmem:s2], [sflag:$0x2] =	stream.linear.gather [hbm4b:s14+s2], $0x200, $0x38;
	[tilespmem:$0x10200] =	vst v63  }
0x1a: {  	p0 =	sne.s32 s13, $0x1C0;
	_ =	swait.ge [sflag:s7], $0x200  }
0x1b: {  	[sflag:s7] =	ssyncset.done $0x0  }
0x1c: {  	[sflag:s7] =	ssyncadd.s32 $0xFFFFFE00  }
0x1d: {  	[tilespmem:s8], [sflag:$0x1] =	stream.indirect.gather [hbm4b:s3+s8], $0x80, s2, s8, $0xb8;
	[tilespmem:$0x10200] =	vst v63  }
0x1e: {  	_ =	swait.ge [sflag:s9], $0x10000  }
.Ltmp0:
0x1f: {  	[sflag:s9] =	ssyncset.done $0x0;
	(pc) =	sbr.rel @p0 .LBB2_2-.Ltmp0, $4  }
0x20: {  	[sflag:s9] =	ssyncadd.s32 $0xFFFF0000  }
0x21: {  	[hbm4b:s11+s2] =	stream.linear.scatter [tilespmem:s8], [sflag:$0x2], $0x10000, $0x38;
	[tilespmem:$0x10200] =	vst v63  }
0x22: {  	_ =	swait.ge [sflag:s7], $0x10000  }
0x23: {  	s13 =	smov.u32 s15;
	s11 =	sadd.s32 $0x2000, s11;
	[sflag:s7] =	ssyncset.done $0x0  }
0x24: {  	s12 =	sadd.s32 s12, s6;
	[sflag:s7] =	ssyncadd.s32 $0xFFFF0000  }
0x25: {  	[tilespmem:s2], [sflag:$0x2] =	stream.linear.gather [hbm4b:s12+s2], $0x200, $0x38;
	[tilespmem:$0x10200] =	vst v63  }
0x26: {  	_ =	swait.ge [sflag:s7], $0x200  }
0x27: {  	[sflag:s7] =	ssyncset.done $0x0  }
0x28: {  	[sflag:s7] =	ssyncadd.s32 $0xFFFFFE00  }
0x29: {  	[tilespmem:s8], [sflag:$0x1] =	stream.indirect.gather [hbm4b:s3+s8], $0x80, s2, s8, $0xb8;
	[tilespmem:$0x10200] =	vst v63  }
0x2a: {  	s10 =	sadd.s32 $0x1, s10;
	_ =	swait.ge [sflag:s9], $0x10000  }
0x2b: {  	p0 =	sne.s32 s10, s4;
	[sflag:s9] =	ssyncset.done $0x0  }
.Ltmp1:
0x2c: {  	[sflag:s9] =	ssyncadd.s32 $0xFFFF0000;
	(pc) =	sbr.rel @p0 .LBB2_1-.Ltmp1, $4  }
0x2d: {  	[hbm4b:s11+s2] =	stream.linear.scatter [tilespmem:s8], [sflag:$0x2], $0x10000, $0x38;
	[tilespmem:$0x10200] =	vst v63  }
0x2e: {  	_ =	swait.ge [sflag:s7], $0x10000  }
0x2f: {  	[sflag:s7] =	ssyncset.done $0x0  }
0x30: {  	[sflag:s7] =	ssyncadd.s32 $0xFFFF0000  }
0x31: {  	_ =	sfence.sel $0x180000  }
0x32: {  	[bflag:$0x0] =	sbarrier.arrive $0xFFFF  }
0x33: {  	p0 =	sne.s32 s1, $0x0;
	_ =	strace $0x9000004A  }
0x34: {  	s0 =	sadd.s32 @!p0 $0x100000, s0;
	[bflag:$0x2] =	sbarrier.arrive $0xFFFF  }
0x35: {  	[sflag:s0] =	ssyncadd.tile.s32 @!p0 $0x1;
	_ =	shalt  }
.Lfunc_end2:
_tile_overlayer_lowered:
.L_overlay_start_2:
0x36: {  	(tag) =	ssettag $0x2  }
0x37: {  	s0 =	rddreg [dreg:$0x0];
	s2 =	stileid.u32  }
0x38: {  	s1 =	rddreg [dreg:$0x1];
	p0 =	sne.s32 s2, $0x0  }
0x39: {  	s3 =	rddreg [dreg:$0x2];
	[bflag:$0x3] =	sbarrier.arrive $0xFFFF;
	s2 =	simm.s32 @!p0 $0x1C02  }
0x3a: {  	[timem:s3], [sflag:s2] =	dma.local @!p0 [hbm:s0], s1  }
0x3b: {  	s0 =	simm.s32 @!p0 $0x2  }
0x3c: {  	_ =	swait.ge @!p0 [sflag:s0], s1  }
0x3d: {  	s1 =	ssub.s32 @!p0 $0x0, s1;
	[sflag:s0] =	ssyncset.done @!p0 $0x0  }
0x3e: {  	[sflag:s0] =	ssyncadd.s32 @!p0 s1  }
0x3f: {  	[bflag:$0x3] =	sbarrier.arrive $0xFFFF  }
0x40: {  	_ =	shalt  }

// kernel: kernel.19.cloned.1.call-start
scs
__scs_entry_jumppad:
0x0: {  	(pc) =	sbr.rel $0x88, $3  }
0x1: {  	(tag) =	ssettag $0x0;
	lr =	simm.s32 $0x1  }
0x2: {  	[smem:$0x3F97] =	sst lr;
	_ =	strace $0xD0000000  }
0x3: {  	_ = 	snop  }
0x4: {  	_ = 	snop  }
0x5: {  	_ = 	snop  }
0x6: {  	_ = 	snop  }
0x7: {  	_ = 	snop  }
__scs_overlays_trampoline_lowered:
0x8: {  	[smem:$0x3FA6] =	sst s0  }
0x9: {  	[smem:$0x3FA7] =	sst s1  }
0xa: {  	[smem:$0x3FA8] =	sst s2  }
0xb: {  	[smem:$0x3FA9] =	sst s3  }
0xc: {  	[smem:$0x3FAA] =	sst s4  }
0xd: {  	[smem:$0x3FAB] =	sst s5  }
0xe: {  	[smem:$0x3FAC] =	sst s6  }
0xf: {  	[smem:$0x3FAD] =	sst s7  }
0x10: {  	[smem:$0x3FAE] =	sst s8  }
0x11: {  	[smem:$0x3FAF] =	sst s9;
	s0 =	simm.s32 @!p0 $0x0  }
0x12: {  	s1 =	sld [smem:$0x3F95];
	s0 =	simm.s32 @p0 $0x1  }
0x13: {  	[smem:$0x3FB0] =	sst s0;
	s0 =	simm.s32 @!p1 $0x0  }
0x14: {  	s2 =	sld [smem:$0x3F94];
	s0 =	simm.s32 @p1 $0x1  }
0x15: {  	[smem:$0x3FB1] =	sst s0;
	s0 =	simm.s32 @!p2 $0x0  }
0x16: {  	s3 =	sld [smem:$0x3FDB];
	s0 =	simm.s32 @p2 $0x1  }
0x17: {  	s4 =	simm.s32 $0x1BF5;
	[smem:$0x3FB3] =	sst s0  }
0x18: {  	s0 =	sld [smem:$0x3F96];
	_ =	swait.ge [sflag:s4], $0x0  }
0x19: {  	s7 =	sld [smem:$0x3F97]  }
0x1a: {  	s8 =	sadd.s32 $0xFFFFE003, lr  }
0x1b: {  	s9 =	sadd.s32 $0xFFFFFEF7, lr;
	s5 =	simm.s32 $0xFFFFFFFF;
	p2 =	slt.u32 s8, $0xFFFFF086  }
0x1c: {  	p1 =	slt.u32 s9, $0xF7A;
	s5 =	simm.s32 @!p2 $0x0  }
0x1d: {  	s5 =	simm.s32 @p1 $0x1;
	p0 =	seq.s32 s7, s2  }
0x1e: {  	s7 =	smul.u32 @!p0 $0xF7A, s2;
	p2 =	seq.s32 @!p0 s5, $0x0  }
0x1f: {  	s9 =	smul.u32 $0xF7A, s1;
	s8 =	simm.s32 @!p0 $0x1BF5;
	p2 =	por !p2, p0  }
0x20: {  	[sflag:s8] =	ssyncset.s32 @!p0 $0xFFFFF086;
	s6 =	sadd.s32 @!p0 s3, s7;
	s7 =	simm.s32 @!p0 $0x108  }
0x21: {  	s3 =	sadd.s32 s3, s9;
	s6 =	sadd.s32 @!p0 $0x88, s6;
	s7 =	simm.s32 @p2 $0x1082  }
0x22: {  	[simem:s7], [sflag:s8] =	dma.local @!p0 [hbm:s6], $0xF7A  }
0x23: {  	s9 =	sor.u32 $0xD0000000, s2;
	s6 =	simm.s32 $0x108;
	_ =	swait.ge @!p0 [sflag:s8], $0x0  }
0x24: {  	s3 =	sadd.s32 $0x88, s3;
	s6 =	simm.s32 @!p1 $0x1082;
	[sflag:s4] =	ssyncset.s32 $0xFFFFF086  }
0x25: {  	[simem:s6], [sflag:s4] =	dma.local [hbm:s3], $0xF7A  }
0x26: {  	[smem:$0x3F97] =	sst s1;
	(tag) =	ssettag s2;
	_ =	strace s9  }
0x27: {  	s1 =	sld [smem:$0x3FA7]  }
0x28: {  	s2 =	sld [smem:$0x3FA8]  }
0x29: {  	s4 =	sld [smem:$0x3FAA]  }
0x2a: {  	p0 =	seq.s32 s5, $0x0;
	s5 =	sld [smem:$0x3FAB]  }
0x2b: {  	s6 =	sld [smem:$0x3FAC]  }
0x2c: {  	s7 =	sld [smem:$0x3FAD]  }
0x2d: {  	s3 =	simm.s32 $0x108;
	s8 =	sld [smem:$0x3FAE]  }
0x2e: {  	s3 =	simm.s32 @!p0 $0x1082;
	s9 =	sld [smem:$0x3FAF]  }
0x2f: {  	lr =	sadd.s32 s0, s3;
	s0 =	sld [smem:$0x3FA6]  }
0x30: {  	s3 =	sld [smem:$0x3FA9]  }
0x31: {  	[smem:$0x3FB2] =	sst s10  }
0x32: {  	s10 =	sld [smem:$0x3FB0];
	_ =	sdelay $0x3  }
0x33: {  	p0 =	seq.s32 s10, $0x1;
	s10 =	sld [smem:$0x3FB2];
	_ =	sdelay $0x3  }
0x34: {  	[smem:$0x3FB2] =	sst s10  }
0x35: {  	s10 =	sld [smem:$0x3FB1];
	_ =	sdelay $0x3  }
0x36: {  	p1 =	seq.s32 s10, $0x1;
	s10 =	sld [smem:$0x3FB2];
	_ =	sdelay $0x3  }
0x37: {  	[smem:$0x3FB2] =	sst s10  }
0x38: {  	s10 =	sld [smem:$0x3FB3]  }
0x39: {  	_ = 	snop;
	(pc) =	sbr.ind lr, $3  }
0x3a: {  	_ = 	snop  }
0x3b: {  	_ = 	snop  }
0x3c: {  	p2 =	seq.s32 s10, $0x1;
	s10 =	sld [smem:$0x3FB2]  }
0x3d: {  	_ =	shalt  }
0x3e: {  	_ =	shalt  }
0x3f: {  	_ =	shalt  }
0x40: {  	_ =	shalt  }
0x41: {  	_ =	shalt  }
0x42: {  	_ =	shalt  }
0x43: {  	_ =	shalt  }
0x44: {  	_ =	shalt  }
0x45: {  	_ =	shalt  }
0x46: {  	_ =	shalt  }
0x47: {  	_ =	shalt  }
0x48: {  	_ =	shalt  }
0x49: {  	_ =	shalt  }
0x4a: {  	_ =	shalt  }
0x4b: {  	_ =	shalt  }
0x4c: {  	_ =	shalt  }
0x4d: {  	_ =	shalt  }
0x4e: {  	_ =	shalt  }
0x4f: {  	_ =	shalt  }
0x50: {  	_ =	shalt  }
0x51: {  	_ =	shalt  }
0x52: {  	_ =	shalt  }
0x53: {  	_ =	shalt  }
0x54: {  	_ =	shalt  }
0x55: {  	_ =	shalt  }
0x56: {  	_ =	shalt  }
0x57: {  	_ =	shalt  }
0x58: {  	_ =	shalt  }
0x59: {  	_ =	shalt  }
0x5a: {  	_ =	shalt  }
0x5b: {  	_ =	shalt  }
0x5c: {  	_ =	shalt  }
0x5d: {  	_ =	shalt  }
0x5e: {  	_ =	shalt  }
0x5f: {  	_ =	shalt  }
0x60: {  	_ =	shalt  }
0x61: {  	_ =	shalt  }
0x62: {  	_ =	shalt  }
0x63: {  	_ =	shalt  }
0x64: {  	_ =	shalt  }
0x65: {  	_ =	shalt  }
0x66: {  	_ =	shalt  }
0x67: {  	_ =	shalt  }
0x68: {  	_ =	shalt  }
0x69: {  	_ =	shalt  }
0x6a: {  	_ =	shalt  }
0x6b: {  	_ =	shalt  }
0x6c: {  	_ =	shalt  }
0x6d: {  	_ =	shalt  }
0x6e: {  	_ =	shalt  }
0x6f: {  	_ =	shalt  }
0x70: {  	_ =	shalt  }
0x71: {  	_ =	shalt  }
0x72: {  	_ =	shalt  }
0x73: {  	_ =	shalt  }
0x74: {  	_ =	shalt  }
0x75: {  	_ =	shalt  }
0x76: {  	_ =	shalt  }
0x77: {  	_ =	shalt  }
0x78: {  	_ =	shalt  }
0x79: {  	_ =	shalt  }
0x7a: {  	_ =	shalt  }
0x7b: {  	_ =	shalt  }
0x7c: {  	_ =	shalt  }
0x7d: {  	_ =	shalt  }
0x7e: {  	_ =	shalt  }
0x7f: {  	_ =	shalt  }
0x80: {  	_ =	shalt  }
0x81: {  	_ =	shalt  }
0x82: {  	_ =	shalt  }
0x83: {  	_ =	shalt  }
0x84: {  	_ =	shalt  }
0x85: {  	_ =	shalt  }
0x86: {  	_ =	shalt  }
0x87: {  	_ =	shalt  }
.Lfunc_end0:
.L_simem_size_0:
called_computation.2_lowered:
.L_overlay_start_0:
0x88: {  	s2 =	sld [smem:$0x3FD9]  }
0x89: {  	s3 =	sld [smem:$0x3FFE];
	_ =	sdelay $0x1  }
0x8a: {  	s1 =	srdreg.scid  }
0x8b: {  	s0 =	sand.u32 $0x1, s1  }
0x8c: {  	s17 =	sshll.u32 s0, $0xA;
	s2 =	sadd.s32 s3, s2  }
0x8d: {  	s2 =	sadd.s32 s2, s17  }
0x8e: {  	[smem:$0x3FBE] =	sst s2  }
0x8f: {  	_ = 	snop  }
0x90: {  	s2 =	sld [smem:$0x3FD0];
	(tm) =	ssettm $0x1  }
0x91: {  	s18 =	sld [smem:$0x3FFB];
	_ =	sdelay $0x3  }
0x92: {  	_ =	strace s18  }
0x93: {  	s3 =	sld [smem:$0x3FFC];
	_ =	sdelay $0x3  }
0x94: {  	_ =	strace s3  }
0x95: {  	s3 =	sld [smem:$0x3FFD];
	_ =	sdelay $0x3  }
0x96: {  	_ =	strace s3  }
0x97: {  	_ =	strace $0x8FFFFFFF  }
0x98: {  	s19 =	sld [smem:$0x3FDB];
	_ =	sdelay $0x1  }
0x99: {  	s4 =	simm.s32 $_scs_section_size  }
0x9a: {  	s5 =	simm.s32 $_size__tile_overlayer_lowered;
	s6 =	simm.s32 $_tile_overlayer_lowered  }
0x9b: {  	s22 =	simm.s32 $0x1BFF;
	s21 =	sshll.u32 s6, $0x1;
	s3 =	sadd.s32 s4, s19  }
0x9c: {  	s7 =	simm.s32 $0x0;
	s20 =	sshll.u32 s5, $0x1;
	s5 =	sadd.s32 s21, s3  }
0x9d: {  	[timem:s7], [sflag:s22] =	dma.local [hbm:s5], s20  }
0x9e: {  	_ =	swait.ge [sflag:s22], s20  }
0x9f: {  	s4 =	ssub.s32 $0x0, s20;
	[sflag:s22] =	ssyncset.done $0x0  }
0xa0: {  	[sflag:s22] =	ssyncadd.s32 s4;
	_ =	sdelay $0x1  }
0xa1: {  	s23 =	simm.s32 $0x1B8B  }
0xa2: {  	_ =	swait.ge [sflag:s23], $0x1  }
0xa3: {  	[sflag:s23] =	ssyncset.done $0x0  }
0xa4: {  	s25 =	simm.s32 $0x1B8E;
	s24 =	sld [smem:$0x3FFE];
	[sflag:s23] =	ssyncadd.s32 $0xFFFFFFFF  }
0xa5: {  	s26 =	simm.s32 $execute0_lowered;
	[smem:$0x3FD2] =	sst s25  }
0xa6: {  	s5 =	sshll.u32 s26, $0x1;
	_ =	strace $0x8000004C;
	[dreg:$0x1] =	wrdreg $0xFFFFFFFF  }
0xa7: {  	s28 =	simm.s32 $_size_execute0_lowered;
	s3 =	sadd.s32 s3, s5;
	[dreg:$0x0] =	wrdreg $0x0  }
0xa8: {  	s5 =	sshll.u32 s28, $0x1;
	[dreg:$0x2] =	wrdreg s3  }
0xa9: {  	[dreg:$0x3] =	wrdreg s5  }
0xaa: {  	[dreg:$0x4] =	wrdreg $0xC0  }
0xab: {  	_ =	task [dreg:s7], $0x5FFFF  }
0xac: {  	[dreg:$0x1] =	wrdreg $0xFFFFFFFF  }
0xad: {  	[dreg:$0x0] =	wrdreg $0x60  }
0xae: {  	[dreg:$0x2] =	wrdreg s24  }
0xaf: {  	[dreg:$0x3] =	wrdreg s2  }
0xb0: {  	[dreg:$0x4] =	wrdreg $0x9  }
0xb1: {  	_ =	task.clear_ibuf [dreg:s7], $0x5FFFF;
	_ =	strace $0x9000004C  }
0xb2: {  	s29 =	simm.s32 $0x9;
	_ =	strace $0x8000004E  }
0xb3: {  	_ =	swait.ge [sflag:s29], $0x1  }
0xb4: {  	[sflag:s29] =	ssyncadd.s32 $0xFFFFFFFF  }
0xb5: {  	_ =	strace $0x9000004E  }
0xb6: {  	_ =	sfence  }
0xb7: {  	s30 =	sld [smem:$0x0];
	_ =	sdelay $0x2  }
0xb8: {  	s31 =	sshll.u32 s1, $0xD;
	s1 =	sshrl.u32 s1, $0x2  }
0xb9: {  	s3 =	sand.u32 $0x4000, s31;
	s1 =	sadd.s32 s1, s30  }
0xba: {  	s0 =	sor.u32 s3, s0;
	s1 =	sshll.u32 s1, $0x11  }
0xbb: {  	s0 =	sor.u32 s1, s0  }
0xbc: {  	s0 =	sadd.s32 $0x8F2B, s0  }
0xbd: {  	[sflag:s0] =	ssyncadd.remote.s32 $0x1  }
0xbe: {  	_ =	sfence.sel $0xFFFF  }
0xbf: {  	[dreg:$0x0] =	wrdreg $0xFFFFFFFF;
	(pc) =	sbr.abs _section_cstart, $3  }
0xc0: {  	[dreg:$0x1] =	wrdreg $0xFFFFFFFF  }
0xc1: {  	_ =	task.clear_ibuf [dreg:s7], $0x2FFFF;
	_ =	strace $0x9FFFFFFF  }
0xc2: {  	(tm) =	ssettm $0x7FFFFFFF  }
0xc3: {  	_ =	shalt  }
tec
execute0_lowered:
.L_overlay_start_1:
0x0: {  	(tag) =	ssettag $0x1  }
0x1: {  	s4 =	rddreg [dreg:$0x0]  }
0x2: {  	s6 =	rddreg [dreg:$0x1]  }
0x3: {  	s0 =	rddreg [dreg:$0x2];
	s2 =	simm.s32 $0x0;
	s1 =	stileid.u32  }
0x4: {  	s3 =	srdreg.scid;
	[smem:$0x7FF] =	sst s2  }
0x5: {  	s5 =	sshll.u32 s1, $0x11;
	s7 =	sand.u32 $0x1, s3;
	s3 =	sadd.s32 $0x83E00, s4  }
0x6: {  	s9 =	sshll.u32 s1, $0xD;
	_ =	strace $0x8000004D;
	s5 =	sadd.s32 s5, s4  }
0x7: {  	s29 =	ssub.s32 $0x2, s7;
	s10 =	sshll.u32 s7, $0xC;
	s7 =	sshll.u32 s7, $0x10  }
0x8: {  	s8 =	sshrl.u32 s29, $0x1;
	s30 =	sor.u32 s10, s9;
	s5 =	sadd.s32 s7, s5  }
0x9: {  	s7 =	simm.s32 $0x2;
	s9 =	simm.s32 $0x1;
	s10 =	simm.s32 $0x0  }
0xa: {  	s4 =	ssub.s32 s29, s8;
	s31 =	sshrl.u32 s30, $0x3;
	s5 =	sadd.s32 $0x283E00, s5  }
0xb: {  	s8 =	simm.s32 $0x200;
	s4 =	smax.u32 s4, $0x1;
	s6 =	sadd.s32 s31, s6  }
.LBB2_1:
0xc: {  	s11 =	sadd.s32 $0x0, s6  }
0xd: {  	[tilespmem:s2], [sflag:$0x2] =	stream.linear.gather [hbm4b:s11+s2], $0x200, $0x38;
	[tilespmem:$0x10200] =	vst v63  }
0xe: {  	_ =	swait.ge [sflag:s7], $0x200  }
0xf: {  	[sflag:s7] =	ssyncset.done $0x0  }
0x10: {  	[sflag:s7] =	ssyncadd.s32 $0xFFFFFE00  }
0x11: {  	[tilespmem:s8], [sflag:$0x1] =	stream.indirect.gather [hbm4b:s3+s8], $0x80, s2, s8, $0xb8;
	[tilespmem:$0x10200] =	vst v63  }
0x12: {  	_ =	swait.ge [sflag:s9], $0x10000  }
0x13: {  	[sflag:s9] =	ssyncset.done $0x0  }
0x14: {  	[sflag:s9] =	ssyncadd.s32 $0xFFFF0000  }
0x15: {  	[hbm4b:s5+s2] =	stream.linear.scatter [tilespmem:s8], [sflag:$0x2], $0x10000, $0x38;
	[tilespmem:$0x10200] =	vst v63  }
0x16: {  	s12 =	simm.s32 $0x40;
	_ =	swait.ge [sflag:s7], $0x10000  }
0x17: {  	s13 =	simm.s32 $0x80;
	s11 =	sadd.s32 $0x2000, s5;
	[sflag:s7] =	ssyncset.done $0x0  }
.LBB2_2:
0x18: {  	s14 =	sadd.s32 s12, s6  }
0x19: {  	[sflag:s7] =	ssyncadd.s32 $0xFFFF0000;
	s12 =	smov.u32 s13;
	s15 =	sadd.s32 $0x40, s13  }
0x1a: {  	[tilespmem:s2], [sflag:$0x2] =	stream.linear.gather [hbm4b:s14+s2], $0x200, $0x38;
	[tilespmem:$0x10200] =	vst v63  }
0x1b: {  	p0 =	sne.s32 s13, $0x1C0;
	_ =	swait.ge [sflag:s7], $0x200  }
0x1c: {  	[sflag:s7] =	ssyncset.done $0x0  }
0x1d: {  	[sflag:s7] =	ssyncadd.s32 $0xFFFFFE00  }
0x1e: {  	[tilespmem:s8], [sflag:$0x1] =	stream.indirect.gather [hbm4b:s3+s8], $0x80, s2, s8, $0xb8;
	[tilespmem:$0x10200] =	vst v63  }
0x1f: {  	_ =	swait.ge [sflag:s9], $0x10000  }
.Ltmp0:
0x20: {  	[sflag:s9] =	ssyncset.done $0x0;
	(pc) =	sbr.rel @p0 .LBB2_2-.Ltmp0, $4  }
0x21: {  	[sflag:s9] =	ssyncadd.s32 $0xFFFF0000  }
0x22: {  	[hbm4b:s11+s2] =	stream.linear.scatter [tilespmem:s8], [sflag:$0x2], $0x10000, $0x38;
	[tilespmem:$0x10200] =	vst v63  }
0x23: {  	_ =	swait.ge [sflag:s7], $0x10000  }
0x24: {  	s13 =	smov.u32 s15;
	s11 =	sadd.s32 $0x2000, s11;
	[sflag:s7] =	ssyncset.done $0x0  }
0x25: {  	s12 =	sadd.s32 s12, s6;
	[sflag:s7] =	ssyncadd.s32 $0xFFFF0000  }
0x26: {  	[tilespmem:s2], [sflag:$0x2] =	stream.linear.gather [hbm4b:s12+s2], $0x200, $0x38;
	[tilespmem:$0x10200] =	vst v63  }
0x27: {  	_ =	swait.ge [sflag:s7], $0x200  }
0x28: {  	[sflag:s7] =	ssyncset.done $0x0  }
0x29: {  	[sflag:s7] =	ssyncadd.s32 $0xFFFFFE00  }
0x2a: {  	[tilespmem:s8], [sflag:$0x1] =	stream.indirect.gather [hbm4b:s3+s8], $0x80, s2, s8, $0xb8;
	[tilespmem:$0x10200] =	vst v63  }
0x2b: {  	s10 =	sadd.s32 $0x1, s10;
	_ =	swait.ge [sflag:s9], $0x10000  }
0x2c: {  	p0 =	sne.s32 s10, s4;
	[sflag:s9] =	ssyncset.done $0x0  }
.Ltmp1:
0x2d: {  	[sflag:s9] =	ssyncadd.s32 $0xFFFF0000;
	(pc) =	sbr.rel @p0 .LBB2_1-.Ltmp1, $4  }
0x2e: {  	[hbm4b:s11+s2] =	stream.linear.scatter [tilespmem:s8], [sflag:$0x2], $0x10000, $0x38;
	[tilespmem:$0x10200] =	vst v63  }
0x2f: {  	_ =	swait.ge [sflag:s7], $0x10000  }
0x30: {  	[sflag:s7] =	ssyncset.done $0x0  }
0x31: {  	[sflag:s7] =	ssyncadd.s32 $0xFFFF0000  }
0x32: {  	_ =	sfence.sel $0x180000  }
0x33: {  	[bflag:$0x0] =	sbarrier.arrive $0xFFFF  }
0x34: {  	p0 =	sne.s32 s1, $0x0;
	_ =	strace $0x9000004D  }
0x35: {  	s0 =	sadd.s32 @!p0 $0x100000, s0;
	[bflag:$0x2] =	sbarrier.arrive $0xFFFF  }
0x36: {  	[sflag:s0] =	ssyncadd.tile.s32 @!p0 $0x1;
	_ =	shalt  }
.Lfunc_end2:
_tile_overlayer_lowered:
.L_overlay_start_2:
0x37: {  	(tag) =	ssettag $0x2  }
0x38: {  	s0 =	rddreg [dreg:$0x0];
	s2 =	stileid.u32  }
0x39: {  	s1 =	rddreg [dreg:$0x1];
	p0 =	sne.s32 s2, $0x0  }
0x3a: {  	s3 =	rddreg [dreg:$0x2];
	[bflag:$0x3] =	sbarrier.arrive $0xFFFF;
	s2 =	simm.s32 @!p0 $0x1C02  }
0x3b: {  	[timem:s3], [sflag:s2] =	dma.local @!p0 [hbm:s0], s1  }
0x3c: {  	s0 =	simm.s32 @!p0 $0x2  }
0x3d: {  	_ =	swait.ge @!p0 [sflag:s0], s1  }
0x3e: {  	s1 =	ssub.s32 @!p0 $0x0, s1;
	[sflag:s0] =	ssyncset.done @!p0 $0x0  }
0x3f: {  	[sflag:s0] =	ssyncadd.s32 @!p0 s1  }
0x40: {  	[bflag:$0x3] =	sbarrier.arrive $0xFFFF  }
0x41: {  	_ =	shalt  }

</sc_bundles>
